<compile_context>
chip_gen: v7x
topology: tpu7x:2x2x1
jax: 0.10.2.dev20260603
libtpu: 0.0.44.dev20260713+nightly
codegen_flags: <defaults>
</compile_context>

<pallas_src>
import functools

import jax
import jax.numpy as jnp
from jax import lax
from jax.experimental import pallas as pl
from jax.experimental.pallas import tpu as pltpu
from jax.experimental.pallas import tpu_sc as plsc

_NC = 2
_NS = 16
_NW = _NC * _NS
_L = 16


def _gather_fields(idx_v, fidx_bufs, g_bufs, tbl_refs, sem, fields,
                   num_fields, nchunks):
  iota = lax.iota(jnp.int32, _L)
  iota_f = iota * num_fields

  for i, f in enumerate(fields):
    def j_body(j, _, f=f, i=i):
      fidx_bufs[i][pl.ds(j * _L, _L)] = plsc.load_gather(
          idx_v, [iota_f + (j * _L * num_fields + f)])
      return 0

    lax.fori_loop(0, nchunks, j_body, 0)
    pltpu.async_copy(tbl_refs[i].at[fidx_bufs[i]], g_bufs[i], sem)

  for i in range(len(fields)):
    pltpu.make_async_copy(
        tbl_refs[i].at[fidx_bufs[i]], g_bufs[i], sem).wait()


def _lr_body_a(*refs, bpw, num_fields, fields):
  nf = len(fields)
  idx_hbm = refs[0]
  tbl_refs = refs[1:1 + nf]
  out_hbm = refs[1 + nf]
  rest = refs[2 + nf:]
  idx_v, out_v = rest[:2]
  fidx_bufs = rest[2:2 + nf]
  g_bufs = rest[2 + nf:2 + 2 * nf]
  sem = rest[2 + 2 * nf]

  wid = lax.axis_index("s") * _NC + lax.axis_index("c")
  pltpu.sync_copy(idx_hbm.at[wid], idx_v)
  nchunks = bpw // _L
  _gather_fields(idx_v, fidx_bufs, g_bufs, tbl_refs, sem, fields,
                 num_fields, nchunks)

  def chunk_body(j, _):
    sl = pl.ds(j * _L, _L)
    acc = g_bufs[0][sl]
    for i in range(1, nf):
      acc = acc + g_bufs[i][sl]
    out_v[sl] = acc
    return 0

  lax.fori_loop(0, nchunks, chunk_body, 0)
  pltpu.sync_copy(out_v, out_hbm.at[pl.ds(wid * bpw, bpw)])


def _lr_body_b(*refs, bpw, num_fields, fields):
  nf = len(fields)
  idx_hbm, part_hbm, num_hbm = refs[:3]
  tbl_refs = refs[3:3 + nf]
  out_hbm = refs[3 + nf]
  rest = refs[4 + nf:]
  idx_v, part_v, num_v, out_v = rest[:4]
  fidx_bufs = rest[4:4 + nf]
  g_bufs = rest[4 + nf:4 + 2 * nf]
  sem = rest[4 + 2 * nf]

  wid = lax.axis_index("s") * _NC + lax.axis_index("c")
  pltpu.sync_copy(idx_hbm.at[wid], idx_v)
  pltpu.sync_copy(part_hbm.at[pl.ds(wid * bpw, bpw)], part_v)
  pltpu.sync_copy(num_hbm.at[0, pl.ds(wid * bpw, bpw)], num_v)
  nchunks = bpw // _L
  _gather_fields(idx_v, fidx_bufs, g_bufs, tbl_refs, sem, fields,
                 num_fields, nchunks)

  def chunk_body(j, _):
    sl = pl.ds(j * _L, _L)
    acc = part_v[sl] + num_v[sl]
    for i in range(nf):
      acc = acc + g_bufs[i][sl]
    out_v[sl] = acc
    return 0

  lax.fori_loop(0, nchunks, chunk_body, 0)
  pltpu.sync_copy(out_v, out_hbm.at[pl.ds(wid * bpw, bpw)])


def _lin_body(xn_ref, w_ref, b_ref, o_ref):
  o_ref[...] = jax.lax.dot_general(
      w_ref[...], xn_ref[...], (((1,), (1,)), ((), ())),
      preferred_element_type=jnp.float32) + b_ref[0]


@functools.partial(jax.jit, static_argnames=())
def kernel(x_cat, x_num, tables, W, bias):
  B, F = x_cat.shape
  _, D_NUM = x_num.shape
  bpw = B // _NW
  fa = tuple(range(16))
  fb = tuple(range(16, F))

  idx = x_cat.reshape(_NW, bpw * F)
  idx, tables_a = lax.optimization_barrier((idx, tables))
  sl_a = [tables_a[f, :, 0] for f in fa]
  tables_b, sl_a0, xn_b = lax.optimization_barrier((tables, sl_a[0], x_num))
  sl_a = [sl_a0] + sl_a[1:]
  sl_b = [tables_b[f, :, 0] for f in fb]

  num = pl.pallas_call(
      _lin_body,
      out_shape=jax.ShapeDtypeStruct((1, B), jnp.float32),
  )(xn_b, W, bias)

  mesh = plsc.VectorSubcoreMesh(core_axis_name="c", subcore_axis_name="s",
                                num_cores=_NC, num_subcores=_NS)
  cp = pltpu.CompilerParams(needs_layout_passes=False)

  body_a = functools.partial(_lr_body_a, bpw=bpw, num_fields=F, fields=fa)
  part = pl.kernel(
      body_a,
      out_type=jax.ShapeDtypeStruct((B,), jnp.float32),
      mesh=mesh,
      compiler_params=cp,
      scratch_types=(
          [pltpu.VMEM((bpw * F,), jnp.int32),
           pltpu.VMEM((bpw,), jnp.float32)]
          + [pltpu.VMEM((bpw,), jnp.int32) for _ in fa]
          + [pltpu.VMEM((bpw,), jnp.float32) for _ in fa]
          + [pltpu.SemaphoreType.DMA]
      ),
  )(idx, *sl_a)

  body_b = functools.partial(_lr_body_b, bpw=bpw, num_fields=F, fields=fb)
  out = pl.kernel(
      body_b,
      out_type=jax.ShapeDtypeStruct((B,), jnp.float32),
      mesh=mesh,
      compiler_params=cp,
      scratch_types=(
          [pltpu.VMEM((bpw * F,), jnp.int32),
           pltpu.VMEM((bpw,), jnp.float32),
           pltpu.VMEM((bpw,), jnp.float32),
           pltpu.VMEM((bpw,), jnp.float32)]
          + [pltpu.VMEM((bpw,), jnp.int32) for _ in fb]
          + [pltpu.VMEM((bpw,), jnp.float32) for _ in fb]
          + [pltpu.SemaphoreType.DMA]
      ),
  )(idx, part, num, *sl_b)
  return out.reshape(B, 1)

# --- scband reference (transcript-rebuilt; emitter-appended) ---
"""Pipeline reference for scband-lrmodel-56126632624556 (READ-ONLY COPY).

The authoritative reference and input builder live on the scoring server;
editing this copy changes nothing except your own understanding.
"""

import jax, jax.numpy as jnp
import numpy as np

B = 16384
F = 26
V = 100000
D_NUM = 13

def setup_inputs(seed: int = 0) -> dict:
    key = jax.random.key(seed)
    k1, k2, k3, k4 = jax.random.split(key, 4)
    x_cat = jax.random.randint(k1, (B, F), 0, V, dtype=jnp.int32)
    x_num = jax.random.normal(k2, (B, D_NUM), dtype=jnp.float32)
    # stacked embedding tables: one [V, 1] table per categorical field
    tables = jax.random.normal(k3, (F, V, 1), dtype=jnp.float32) * 0.01
    # linear weight for numeric features: nn.Linear(num_dim, 1, bias=False) -> W shape [1, num_dim]
    W = jax.random.normal(k4, (1, D_NUM), dtype=jnp.float32) * 0.1
    bias = jnp.zeros((1,), dtype=jnp.float32)
    return {"x_cat": x_cat, "x_num": x_num, "tables": tables, "W": W, "bias": bias}

def reference(x_cat, x_num, tables, W, bias):
    # per-field embedding lookup: tables[f][x_cat[:, f]] for each field f
    field_idx = jnp.arange(F)[None, :]  # [1, F]
    gathered = tables[field_idx, x_cat, :]  # [B, F, 1]
    # torch: stack over fields (dim=0) then sum(dim=0) == sum over fields
    out = bias + gathered.sum(axis=1)  # [B, 1]
    out = out + x_num @ W.T  # [B, 1]
    return out

if __name__ == "__main__":
    import jax
    _d = setup_inputs()
    print(jax.jit(kernel)(*tuple(_d.values())))

</pallas_src>

<mosaic_0001>
#map = affine_map<(d0, d1) -> (0, 0)>
#map1 = affine_map<(d0, d1) -> (0)>
module attributes {stable_mosaic.version = 14 : i64} {
  func.func @_lr_body_b(%arg0: i32, %arg1: i32, %arg2: memref<32x13312xi32, #tpu.memory_space<hbm>>, %arg3: memref<16384xf32, #tpu.memory_space<hbm>>, %arg4: memref<1x16384xf32, #tpu.memory_space<hbm>>, %arg5: memref<100000xf32, #tpu.memory_space<hbm>>, %arg6: memref<100000xf32, #tpu.memory_space<hbm>>, %arg7: memref<100000xf32, #tpu.memory_space<hbm>>, %arg8: memref<100000xf32, #tpu.memory_space<hbm>>, %arg9: memref<100000xf32, #tpu.memory_space<hbm>>, %arg10: memref<100000xf32, #tpu.memory_space<hbm>>, %arg11: memref<100000xf32, #tpu.memory_space<hbm>>, %arg12: memref<100000xf32, #tpu.memory_space<hbm>>, %arg13: memref<100000xf32, #tpu.memory_space<hbm>>, %arg14: memref<100000xf32, #tpu.memory_space<hbm>>, %arg15: memref<16384xf32, #tpu.memory_space<hbm>>, %arg16: memref<13312xi32, #tpu.memory_space<vmem>>, %arg17: memref<512xf32, #tpu.memory_space<vmem>>, %arg18: memref<512xf32, #tpu.memory_space<vmem>>, %arg19: memref<512xf32, #tpu.memory_space<vmem>>, %arg20: memref<512xi32, #tpu.memory_space<vmem>>, %arg21: memref<512xi32, #tpu.memory_space<vmem>>, %arg22: memref<512xi32, #tpu.memory_space<vmem>>, %arg23: memref<512xi32, #tpu.memory_space<vmem>>, %arg24: memref<512xi32, #tpu.memory_space<vmem>>, %arg25: memref<512xi32, #tpu.memory_space<vmem>>, %arg26: memref<512xi32, #tpu.memory_space<vmem>>, %arg27: memref<512xi32, #tpu.memory_space<vmem>>, %arg28: memref<512xi32, #tpu.memory_space<vmem>>, %arg29: memref<512xi32, #tpu.memory_space<vmem>>, %arg30: memref<512xf32, #tpu.memory_space<vmem>>, %arg31: memref<512xf32, #tpu.memory_space<vmem>>, %arg32: memref<512xf32, #tpu.memory_space<vmem>>, %arg33: memref<512xf32, #tpu.memory_space<vmem>>, %arg34: memref<512xf32, #tpu.memory_space<vmem>>, %arg35: memref<512xf32, #tpu.memory_space<vmem>>, %arg36: memref<512xf32, #tpu.memory_space<vmem>>, %arg37: memref<512xf32, #tpu.memory_space<vmem>>, %arg38: memref<512xf32, #tpu.memory_space<vmem>>, %arg39: memref<512xf32, #tpu.memory_space<vmem>>, %arg40: memref<!tpu.dma_semaphore, #tpu.memory_space<semaphore_mem>>) attributes {dimension_semantics = [#tpu.dimension_semantics<core_parallel>, #tpu.dimension_semantics<subcore_parallel>], iteration_bounds = array<i64: 2, 16>, scalar_prefetch = 0 : i64, scratch_operands = 25 : i64, tpu.core_type = #tpu.core_type<sc_vector_subcore>, window_params = [{transform_indices = #map}, {transform_indices = #map1}, {transform_indices = #map}, {transform_indices = #map1}, {transform_indices = #map1}, {transform_indices = #map1}, {transform_indices = #map1}, {transform_indices = #map1}, {transform_indices = #map1}, {transform_indices = #map1}, {transform_indices = #map1}, {transform_indices = #map1}, {transform_indices = #map1}, {transform_indices = #map1}]} {
    %mul3A = arith.constant 2 : i32
    %mul3A_0 = arith.muli %arg1, %mul3A : i32
    %add3A = arith.addi %mul3A_0, %arg0 : i32
    "tpu.region"() ({
      %run_scoped3A_124 = tpu.sem_alloc : memref<!tpu.dma_semaphore, #tpu.memory_space<semaphore_mem>>
      %dma_start3A_125 = arith.constant 0 : i32
      %dma_start3A_126 = tpu.memref_slice %arg2[%add3A, %dma_start3A_125] : memref<32x13312xi32, #tpu.memory_space<hbm>> -> memref<1x13312xi32, #tpu.memory_space<hbm>>
      %dma_start3A_127 = tpu.memref_squeeze %dma_start3A_126 : memref<1x13312xi32, #tpu.memory_space<hbm>> -> memref<13312xi32, #tpu.memory_space<hbm>>
      %dma_start3A_128 = arith.constant 0 : i32
      %dma_start3A_129 = tpu.memref_slice %arg2[%add3A, %dma_start3A_128] : memref<32x13312xi32, #tpu.memory_space<hbm>> -> memref<1x13312xi32, #tpu.memory_space<hbm>>
      %dma_start3A_130 = tpu.memref_squeeze %dma_start3A_129 : memref<1x13312xi32, #tpu.memory_space<hbm>> -> memref<13312xi32, #tpu.memory_space<hbm>>
      tpu.enqueue_dma source(%dma_start3A_130 : memref<13312xi32, #tpu.memory_space<hbm>>) target(%arg16 : memref<13312xi32, #tpu.memory_space<vmem>>) target_semaphore(%run_scoped3A_124 : memref<!tpu.dma_semaphore, #tpu.memory_space<semaphore_mem>>)
      %dma_wait3A_131 = arith.constant 0 : i32
      %dma_wait3A_132 = tpu.memref_slice %arg2[%add3A, %dma_wait3A_131] : memref<32x13312xi32, #tpu.memory_space<hbm>> -> memref<1x13312xi32, #tpu.memory_space<hbm>>
      %dma_wait3A_133 = tpu.memref_squeeze %dma_wait3A_132 : memref<1x13312xi32, #tpu.memory_space<hbm>> -> memref<13312xi32, #tpu.memory_space<hbm>>
      %dma_wait3A_134 = arith.constant 0 : i32
      %dma_wait3A_135 = tpu.memref_slice %arg2[%add3A, %dma_wait3A_134] : memref<32x13312xi32, #tpu.memory_space<hbm>> -> memref<1x13312xi32, #tpu.memory_space<hbm>>
      %dma_wait3A_136 = tpu.memref_squeeze %dma_wait3A_135 : memref<1x13312xi32, #tpu.memory_space<hbm>> -> memref<13312xi32, #tpu.memory_space<hbm>>
      tpu.wait_dma2 semaphore(%run_scoped3A_124 : memref<!tpu.dma_semaphore, #tpu.memory_space<semaphore_mem>>) src(%dma_wait3A_136 : memref<13312xi32, #tpu.memory_space<hbm>>) dst(%arg16 : memref<13312xi32, #tpu.memory_space<vmem>>)
      tpu.yield
    }) : () -> ()
    %mul3A_1 = arith.constant 512 : i32
    %mul3A_2 = arith.muli %add3A, %mul3A_1 : i32
    "tpu.region"() ({
      %run_scoped3A_124 = tpu.sem_alloc : memref<!tpu.dma_semaphore, #tpu.memory_space<semaphore_mem>>
      %dma_start3A_125 = tpu.memref_slice %arg3[%mul3A_2] : memref<16384xf32, #tpu.memory_space<hbm>> -> memref<512xf32, #tpu.memory_space<hbm>>
      %dma_start3A_126 = tpu.memref_slice %arg3[%mul3A_2] : memref<16384xf32, #tpu.memory_space<hbm>> -> memref<512xf32, #tpu.memory_space<hbm>>
      tpu.enqueue_dma source(%dma_start3A_126 : memref<512xf32, #tpu.memory_space<hbm>>) target(%arg17 : memref<512xf32, #tpu.memory_space<vmem>>) target_semaphore(%run_scoped3A_124 : memref<!tpu.dma_semaphore, #tpu.memory_space<semaphore_mem>>)
      %dma_wait3A_127 = tpu.memref_slice %arg3[%mul3A_2] : memref<16384xf32, #tpu.memory_space<hbm>> -> memref<512xf32, #tpu.memory_space<hbm>>
      %dma_wait3A_128 = tpu.memref_slice %arg3[%mul3A_2] : memref<16384xf32, #tpu.memory_space<hbm>> -> memref<512xf32, #tpu.memory_space<hbm>>
      tpu.wait_dma2 semaphore(%run_scoped3A_124 : memref<!tpu.dma_semaphore, #tpu.memory_space<semaphore_mem>>) src(%dma_wait3A_128 : memref<512xf32, #tpu.memory_space<hbm>>) dst(%arg17 : memref<512xf32, #tpu.memory_space<vmem>>)
      tpu.yield
    }) : () -> ()
    %mul3A_3 = arith.constant 512 : i32
    %mul3A_4 = arith.muli %add3A, %mul3A_3 : i32
    %run_scoped3A = arith.constant 0 : i32
    "tpu.region"() ({
      %run_scoped3A_124 = tpu.sem_alloc : memref<!tpu.dma_semaphore, #tpu.memory_space<semaphore_mem>>
      %dma_start3A_125 = tpu.memref_slice %arg4[%run_scoped3A, %mul3A_4] : memref<1x16384xf32, #tpu.memory_space<hbm>> -> memref<1x512xf32, #tpu.memory_space<hbm>>
      %dma_start3A_126 = tpu.memref_squeeze %dma_start3A_125 : memref<1x512xf32, #tpu.memory_space<hbm>> -> memref<512xf32, #tpu.memory_space<hbm>>
      %dma_start3A_127 = tpu.memref_slice %arg4[%run_scoped3A, %mul3A_4] : memref<1x16384xf32, #tpu.memory_space<hbm>> -> memref<1x512xf32, #tpu.memory_space<hbm>>
      %dma_start3A_128 = tpu.memref_squeeze %dma_start3A_127 : memref<1x512xf32, #tpu.memory_space<hbm>> -> memref<512xf32, #tpu.memory_space<hbm>>
      tpu.enqueue_dma source(%dma_start3A_128 : memref<512xf32, #tpu.memory_space<hbm>>) target(%arg18 : memref<512xf32, #tpu.memory_space<vmem>>) target_semaphore(%run_scoped3A_124 : memref<!tpu.dma_semaphore, #tpu.memory_space<semaphore_mem>>)
      %dma_wait3A_129 = tpu.memref_slice %arg4[%run_scoped3A, %mul3A_4] : memref<1x16384xf32, #tpu.memory_space<hbm>> -> memref<1x512xf32, #tpu.memory_space<hbm>>
      %dma_wait3A_130 = tpu.memref_squeeze %dma_wait3A_129 : memref<1x512xf32, #tpu.memory_space<hbm>> -> memref<512xf32, #tpu.memory_space<hbm>>
      %dma_wait3A_131 = tpu.memref_slice %arg4[%run_scoped3A, %mul3A_4] : memref<1x16384xf32, #tpu.memory_space<hbm>> -> memref<1x512xf32, #tpu.memory_space<hbm>>
      %dma_wait3A_132 = tpu.memref_squeeze %dma_wait3A_131 : memref<1x512xf32, #tpu.memory_space<hbm>> -> memref<512xf32, #tpu.memory_space<hbm>>
      tpu.wait_dma2 semaphore(%run_scoped3A_124 : memref<!tpu.dma_semaphore, #tpu.memory_space<semaphore_mem>>) src(%dma_wait3A_132 : memref<512xf32, #tpu.memory_space<hbm>>) dst(%arg18 : memref<512xf32, #tpu.memory_space<vmem>>)
      tpu.yield
    }) : () -> ()
    %iota3A = tpu.iota {dimensions = array<i32: 0>} : vector<16xi32>
    %mul3A_5 = arith.constant 26 : i32
    %mul3A_6 = vector.broadcast %mul3A_5 : i32 to vector<16xi32>
    %mul3A_7 = arith.muli %iota3A, %mul3A_6 : vector<16xi32>
    %scan3A = arith.constant 0 : i32
    %scan3A_8 = arith.constant 0 : i32
    %scan3A_9 = arith.constant 32 : i32
    %scan3A_10 = arith.addi %scan3A_8, %scan3A_9 : i32
    %scan3A_11 = arith.constant 1 : i32
    %scan3A_12 = scf.for %scan3A_124 = %scan3A_8 to %scan3A_10 step %scan3A_11 iter_args(%scan3A_125 = %scan3A) -> (i32)  : i32 {
      %mul3A_126 = arith.constant 16 : i32
      %mul3A_127 = arith.muli %scan3A_124, %mul3A_126 : i32
      %mul3A_128 = arith.constant 26 : i32
      %mul3A_129 = arith.muli %mul3A_127, %mul3A_128 : i32
      %add3A_130 = arith.constant 16 : i32
      %add3A_131 = arith.addi %mul3A_129, %add3A_130 : i32
      %add3A_132 = vector.broadcast %add3A_131 : i32 to vector<16xi32>
      %add3A_133 = arith.addi %mul3A_7, %add3A_132 : vector<16xi32>
      %gather3A = tpu.vector_load_idx %arg16[%add3A_133] : memref<13312xi32, #tpu.memory_space<vmem>>[vector<16xi32>], vector<16xi32>,
      %mul3A_134 = arith.constant 16 : i32
      %mul3A_135 = arith.muli %scan3A_124, %mul3A_134 : i32
      %swap3A = arith.index_cast %mul3A_135 : i32 to index
      %swap3A_136 = tpu.vector_load %arg20[%swap3A] {strides = array<i32>} : memref<512xi32, #tpu.memory_space<vmem>>, vector<16xi32>,
      tpu.vector_store %arg20[%swap3A], %gather3A {strides = array<i32>} : memref<512xi32, #tpu.memory_space<vmem>>, vector<16xi32>,
      %scan3A_137 = arith.constant 0 : i32
      scf.yield %scan3A_137 : i32
    }
    %scan3A_13 = arith.constant 32 : i32
    %dma_start3A = arith.constant 0 : i32
    %dma_start3A_14 = tpu.memref_slice %arg5[%dma_start3A] : memref<100000xf32, #tpu.memory_space<hbm>> -> memref<100000xf32, #tpu.memory_space<hbm>>
    tpu.enqueue_indirect_dma source(%dma_start3A_14 : memref<100000xf32, #tpu.memory_space<hbm>>) target(%arg30 : memref<512xf32, #tpu.memory_space<vmem>>) offsets(%arg20 : memref<512xi32, #tpu.memory_space<vmem>>) semaphore(%arg40 : memref<!tpu.dma_semaphore, #tpu.memory_space<semaphore_mem>>)
    %scan3A_15 = arith.constant 0 : i32
    %scan3A_16 = arith.constant 0 : i32
    %scan3A_17 = arith.constant 32 : i32
    %scan3A_18 = arith.addi %scan3A_16, %scan3A_17 : i32
    %scan3A_19 = arith.constant 1 : i32
    %scan3A_20 = scf.for %scan3A_124 = %scan3A_16 to %scan3A_18 step %scan3A_19 iter_args(%scan3A_125 = %scan3A_15) -> (i32)  : i32 {
      %mul3A_126 = arith.constant 16 : i32
      %mul3A_127 = arith.muli %scan3A_124, %mul3A_126 : i32
      %mul3A_128 = arith.constant 26 : i32
      %mul3A_129 = arith.muli %mul3A_127, %mul3A_128 : i32
      %add3A_130 = arith.constant 17 : i32
      %add3A_131 = arith.addi %mul3A_129, %add3A_130 : i32
      %add3A_132 = vector.broadcast %add3A_131 : i32 to vector<16xi32>
      %add3A_133 = arith.addi %mul3A_7, %add3A_132 : vector<16xi32>
      %gather3A = tpu.vector_load_idx %arg16[%add3A_133] : memref<13312xi32, #tpu.memory_space<vmem>>[vector<16xi32>], vector<16xi32>,
      %mul3A_134 = arith.constant 16 : i32
      %mul3A_135 = arith.muli %scan3A_124, %mul3A_134 : i32
      %swap3A = arith.index_cast %mul3A_135 : i32 to index
      %swap3A_136 = tpu.vector_load %arg21[%swap3A] {strides = array<i32>} : memref<512xi32, #tpu.memory_space<vmem>>, vector<16xi32>,
      tpu.vector_store %arg21[%swap3A], %gather3A {strides = array<i32>} : memref<512xi32, #tpu.memory_space<vmem>>, vector<16xi32>,
      %scan3A_137 = arith.constant 0 : i32
      scf.yield %scan3A_137 : i32
    }
    %scan3A_21 = arith.constant 32 : i32
    %dma_start3A_22 = arith.constant 0 : i32
    %dma_start3A_23 = tpu.memref_slice %arg6[%dma_start3A_22] : memref<100000xf32, #tpu.memory_space<hbm>> -> memref<100000xf32, #tpu.memory_space<hbm>>
    tpu.enqueue_indirect_dma source(%dma_start3A_23 : memref<100000xf32, #tpu.memory_space<hbm>>) target(%arg31 : memref<512xf32, #tpu.memory_space<vmem>>) offsets(%arg21 : memref<512xi32, #tpu.memory_space<vmem>>) semaphore(%arg40 : memref<!tpu.dma_semaphore, #tpu.memory_space<semaphore_mem>>)
    %scan3A_24 = arith.constant 0 : i32
    %scan3A_25 = arith.constant 0 : i32
    %scan3A_26 = arith.constant 32 : i32
    %scan3A_27 = arith.addi %scan3A_25, %scan3A_26 : i32
    %scan3A_28 = arith.constant 1 : i32
    %scan3A_29 = scf.for %scan3A_124 = %scan3A_25 to %scan3A_27 step %scan3A_28 iter_args(%scan3A_125 = %scan3A_24) -> (i32)  : i32 {
      %mul3A_126 = arith.constant 16 : i32
      %mul3A_127 = arith.muli %scan3A_124, %mul3A_126 : i32
      %mul3A_128 = arith.constant 26 : i32
      %mul3A_129 = arith.muli %mul3A_127, %mul3A_128 : i32
      %add3A_130 = arith.constant 18 : i32
      %add3A_131 = arith.addi %mul3A_129, %add3A_130 : i32
      %add3A_132 = vector.broadcast %add3A_131 : i32 to vector<16xi32>
      %add3A_133 = arith.addi %mul3A_7, %add3A_132 : vector<16xi32>
      %gather3A = tpu.vector_load_idx %arg16[%add3A_133] : memref<13312xi32, #tpu.memory_space<vmem>>[vector<16xi32>], vector<16xi32>,
      %mul3A_134 = arith.constant 16 : i32
      %mul3A_135 = arith.muli %scan3A_124, %mul3A_134 : i32
      %swap3A = arith.index_cast %mul3A_135 : i32 to index
      %swap3A_136 = tpu.vector_load %arg22[%swap3A] {strides = array<i32>} : memref<512xi32, #tpu.memory_space<vmem>>, vector<16xi32>,
      tpu.vector_store %arg22[%swap3A], %gather3A {strides = array<i32>} : memref<512xi32, #tpu.memory_space<vmem>>, vector<16xi32>,
      %scan3A_137 = arith.constant 0 : i32
      scf.yield %scan3A_137 : i32
    }
    %scan3A_30 = arith.constant 32 : i32
    %dma_start3A_31 = arith.constant 0 : i32
    %dma_start3A_32 = tpu.memref_slice %arg7[%dma_start3A_31] : memref<100000xf32, #tpu.memory_space<hbm>> -> memref<100000xf32, #tpu.memory_space<hbm>>
    tpu.enqueue_indirect_dma source(%dma_start3A_32 : memref<100000xf32, #tpu.memory_space<hbm>>) target(%arg32 : memref<512xf32, #tpu.memory_space<vmem>>) offsets(%arg22 : memref<512xi32, #tpu.memory_space<vmem>>) semaphore(%arg40 : memref<!tpu.dma_semaphore, #tpu.memory_space<semaphore_mem>>)
    %scan3A_33 = arith.constant 0 : i32
    %scan3A_34 = arith.constant 0 : i32
    %scan3A_35 = arith.constant 32 : i32
    %scan3A_36 = arith.addi %scan3A_34, %scan3A_35 : i32
    %scan3A_37 = arith.constant 1 : i32
    %scan3A_38 = scf.for %scan3A_124 = %scan3A_34 to %scan3A_36 step %scan3A_37 iter_args(%scan3A_125 = %scan3A_33) -> (i32)  : i32 {
      %mul3A_126 = arith.constant 16 : i32
      %mul3A_127 = arith.muli %scan3A_124, %mul3A_126 : i32
      %mul3A_128 = arith.constant 26 : i32
      %mul3A_129 = arith.muli %mul3A_127, %mul3A_128 : i32
      %add3A_130 = arith.constant 19 : i32
      %add3A_131 = arith.addi %mul3A_129, %add3A_130 : i32
      %add3A_132 = vector.broadcast %add3A_131 : i32 to vector<16xi32>
      %add3A_133 = arith.addi %mul3A_7, %add3A_132 : vector<16xi32>
      %gather3A = tpu.vector_load_idx %arg16[%add3A_133] : memref<13312xi32, #tpu.memory_space<vmem>>[vector<16xi32>], vector<16xi32>,
      %mul3A_134 = arith.constant 16 : i32
      %mul3A_135 = arith.muli %scan3A_124, %mul3A_134 : i32
      %swap3A = arith.index_cast %mul3A_135 : i32 to index
      %swap3A_136 = tpu.vector_load %arg23[%swap3A] {strides = array<i32>} : memref<512xi32, #tpu.memory_space<vmem>>, vector<16xi32>,
      tpu.vector_store %arg23[%swap3A], %gather3A {strides = array<i32>} : memref<512xi32, #tpu.memory_space<vmem>>, vector<16xi32>,
      %scan3A_137 = arith.constant 0 : i32
      scf.yield %scan3A_137 : i32
    }
    %scan3A_39 = arith.constant 32 : i32
    %dma_start3A_40 = arith.constant 0 : i32
    %dma_start3A_41 = tpu.memref_slice %arg8[%dma_start3A_40] : memref<100000xf32, #tpu.memory_space<hbm>> -> memref<100000xf32, #tpu.memory_space<hbm>>
    tpu.enqueue_indirect_dma source(%dma_start3A_41 : memref<100000xf32, #tpu.memory_space<hbm>>) target(%arg33 : memref<512xf32, #tpu.memory_space<vmem>>) offsets(%arg23 : memref<512xi32, #tpu.memory_space<vmem>>) semaphore(%arg40 : memref<!tpu.dma_semaphore, #tpu.memory_space<semaphore_mem>>)
    %scan3A_42 = arith.constant 0 : i32
    %scan3A_43 = arith.constant 0 : i32
    %scan3A_44 = arith.constant 32 : i32
    %scan3A_45 = arith.addi %scan3A_43, %scan3A_44 : i32
    %scan3A_46 = arith.constant 1 : i32
    %scan3A_47 = scf.for %scan3A_124 = %scan3A_43 to %scan3A_45 step %scan3A_46 iter_args(%scan3A_125 = %scan3A_42) -> (i32)  : i32 {
      %mul3A_126 = arith.constant 16 : i32
      %mul3A_127 = arith.muli %scan3A_124, %mul3A_126 : i32
      %mul3A_128 = arith.constant 26 : i32
      %mul3A_129 = arith.muli %mul3A_127, %mul3A_128 : i32
      %add3A_130 = arith.constant 20 : i32
      %add3A_131 = arith.addi %mul3A_129, %add3A_130 : i32
      %add3A_132 = vector.broadcast %add3A_131 : i32 to vector<16xi32>
      %add3A_133 = arith.addi %mul3A_7, %add3A_132 : vector<16xi32>
      %gather3A = tpu.vector_load_idx %arg16[%add3A_133] : memref<13312xi32, #tpu.memory_space<vmem>>[vector<16xi32>], vector<16xi32>,
      %mul3A_134 = arith.constant 16 : i32
      %mul3A_135 = arith.muli %scan3A_124, %mul3A_134 : i32
      %swap3A = arith.index_cast %mul3A_135 : i32 to index
      %swap3A_136 = tpu.vector_load %arg24[%swap3A] {strides = array<i32>} : memref<512xi32, #tpu.memory_space<vmem>>, vector<16xi32>,
      tpu.vector_store %arg24[%swap3A], %gather3A {strides = array<i32>} : memref<512xi32, #tpu.memory_space<vmem>>, vector<16xi32>,
      %scan3A_137 = arith.constant 0 : i32
      scf.yield %scan3A_137 : i32
    }
    %scan3A_48 = arith.constant 32 : i32
    %dma_start3A_49 = arith.constant 0 : i32
    %dma_start3A_50 = tpu.memref_slice %arg9[%dma_start3A_49] : memref<100000xf32, #tpu.memory_space<hbm>> -> memref<100000xf32, #tpu.memory_space<hbm>>
    tpu.enqueue_indirect_dma source(%dma_start3A_50 : memref<100000xf32, #tpu.memory_space<hbm>>) target(%arg34 : memref<512xf32, #tpu.memory_space<vmem>>) offsets(%arg24 : memref<512xi32, #tpu.memory_space<vmem>>) semaphore(%arg40 : memref<!tpu.dma_semaphore, #tpu.memory_space<semaphore_mem>>)
    %scan3A_51 = arith.constant 0 : i32
    %scan3A_52 = arith.constant 0 : i32
    %scan3A_53 = arith.constant 32 : i32
    %scan3A_54 = arith.addi %scan3A_52, %scan3A_53 : i32
    %scan3A_55 = arith.constant 1 : i32
    %scan3A_56 = scf.for %scan3A_124 = %scan3A_52 to %scan3A_54 step %scan3A_55 iter_args(%scan3A_125 = %scan3A_51) -> (i32)  : i32 {
      %mul3A_126 = arith.constant 16 : i32
      %mul3A_127 = arith.muli %scan3A_124, %mul3A_126 : i32
      %mul3A_128 = arith.constant 26 : i32
      %mul3A_129 = arith.muli %mul3A_127, %mul3A_128 : i32
      %add3A_130 = arith.constant 21 : i32
      %add3A_131 = arith.addi %mul3A_129, %add3A_130 : i32
      %add3A_132 = vector.broadcast %add3A_131 : i32 to vector<16xi32>
      %add3A_133 = arith.addi %mul3A_7, %add3A_132 : vector<16xi32>
      %gather3A = tpu.vector_load_idx %arg16[%add3A_133] : memref<13312xi32, #tpu.memory_space<vmem>>[vector<16xi32>], vector<16xi32>,
      %mul3A_134 = arith.constant 16 : i32
      %mul3A_135 = arith.muli %scan3A_124, %mul3A_134 : i32
      %swap3A = arith.index_cast %mul3A_135 : i32 to index
      %swap3A_136 = tpu.vector_load %arg25[%swap3A] {strides = array<i32>} : memref<512xi32, #tpu.memory_space<vmem>>, vector<16xi32>,
      tpu.vector_store %arg25[%swap3A], %gather3A {strides = array<i32>} : memref<512xi32, #tpu.memory_space<vmem>>, vector<16xi32>,
      %scan3A_137 = arith.constant 0 : i32
      scf.yield %scan3A_137 : i32
    }
    %scan3A_57 = arith.constant 32 : i32
    %dma_start3A_58 = arith.constant 0 : i32
    %dma_start3A_59 = tpu.memref_slice %arg10[%dma_start3A_58] : memref<100000xf32, #tpu.memory_space<hbm>> -> memref<100000xf32, #tpu.memory_space<hbm>>
    tpu.enqueue_indirect_dma source(%dma_start3A_59 : memref<100000xf32, #tpu.memory_space<hbm>>) target(%arg35 : memref<512xf32, #tpu.memory_space<vmem>>) offsets(%arg25 : memref<512xi32, #tpu.memory_space<vmem>>) semaphore(%arg40 : memref<!tpu.dma_semaphore, #tpu.memory_space<semaphore_mem>>)
    %scan3A_60 = arith.constant 0 : i32
    %scan3A_61 = arith.constant 0 : i32
    %scan3A_62 = arith.constant 32 : i32
    %scan3A_63 = arith.addi %scan3A_61, %scan3A_62 : i32
    %scan3A_64 = arith.constant 1 : i32
    %scan3A_65 = scf.for %scan3A_124 = %scan3A_61 to %scan3A_63 step %scan3A_64 iter_args(%scan3A_125 = %scan3A_60) -> (i32)  : i32 {
      %mul3A_126 = arith.constant 16 : i32
      %mul3A_127 = arith.muli %scan3A_124, %mul3A_126 : i32
      %mul3A_128 = arith.constant 26 : i32
      %mul3A_129 = arith.muli %mul3A_127, %mul3A_128 : i32
      %add3A_130 = arith.constant 22 : i32
      %add3A_131 = arith.addi %mul3A_129, %add3A_130 : i32
      %add3A_132 = vector.broadcast %add3A_131 : i32 to vector<16xi32>
      %add3A_133 = arith.addi %mul3A_7, %add3A_132 : vector<16xi32>
      %gather3A = tpu.vector_load_idx %arg16[%add3A_133] : memref<13312xi32, #tpu.memory_space<vmem>>[vector<16xi32>], vector<16xi32>,
      %mul3A_134 = arith.constant 16 : i32
      %mul3A_135 = arith.muli %scan3A_124, %mul3A_134 : i32
      %swap3A = arith.index_cast %mul3A_135 : i32 to index
      %swap3A_136 = tpu.vector_load %arg26[%swap3A] {strides = array<i32>} : memref<512xi32, #tpu.memory_space<vmem>>, vector<16xi32>,
      tpu.vector_store %arg26[%swap3A], %gather3A {strides = array<i32>} : memref<512xi32, #tpu.memory_space<vmem>>, vector<16xi32>,
      %scan3A_137 = arith.constant 0 : i32
      scf.yield %scan3A_137 : i32
    }
    %scan3A_66 = arith.constant 32 : i32
    %dma_start3A_67 = arith.constant 0 : i32
    %dma_start3A_68 = tpu.memref_slice %arg11[%dma_start3A_67] : memref<100000xf32, #tpu.memory_space<hbm>> -> memref<100000xf32, #tpu.memory_space<hbm>>
    tpu.enqueue_indirect_dma source(%dma_start3A_68 : memref<100000xf32, #tpu.memory_space<hbm>>) target(%arg36 : memref<512xf32, #tpu.memory_space<vmem>>) offsets(%arg26 : memref<512xi32, #tpu.memory_space<vmem>>) semaphore(%arg40 : memref<!tpu.dma_semaphore, #tpu.memory_space<semaphore_mem>>)
    %scan3A_69 = arith.constant 0 : i32
    %scan3A_70 = arith.constant 0 : i32
    %scan3A_71 = arith.constant 32 : i32
    %scan3A_72 = arith.addi %scan3A_70, %scan3A_71 : i32
    %scan3A_73 = arith.constant 1 : i32
    %scan3A_74 = scf.for %scan3A_124 = %scan3A_70 to %scan3A_72 step %scan3A_73 iter_args(%scan3A_125 = %scan3A_69) -> (i32)  : i32 {
      %mul3A_126 = arith.constant 16 : i32
      %mul3A_127 = arith.muli %scan3A_124, %mul3A_126 : i32
      %mul3A_128 = arith.constant 26 : i32
      %mul3A_129 = arith.muli %mul3A_127, %mul3A_128 : i32
      %add3A_130 = arith.constant 23 : i32
      %add3A_131 = arith.addi %mul3A_129, %add3A_130 : i32
      %add3A_132 = vector.broadcast %add3A_131 : i32 to vector<16xi32>
      %add3A_133 = arith.addi %mul3A_7, %add3A_132 : vector<16xi32>
      %gather3A = tpu.vector_load_idx %arg16[%add3A_133] : memref<13312xi32, #tpu.memory_space<vmem>>[vector<16xi32>], vector<16xi32>,
      %mul3A_134 = arith.constant 16 : i32
      %mul3A_135 = arith.muli %scan3A_124, %mul3A_134 : i32
      %swap3A = arith.index_cast %mul3A_135 : i32 to index
      %swap3A_136 = tpu.vector_load %arg27[%swap3A] {strides = array<i32>} : memref<512xi32, #tpu.memory_space<vmem>>, vector<16xi32>,
      tpu.vector_store %arg27[%swap3A], %gather3A {strides = array<i32>} : memref<512xi32, #tpu.memory_space<vmem>>, vector<16xi32>,
      %scan3A_137 = arith.constant 0 : i32
      scf.yield %scan3A_137 : i32
    }
    %scan3A_75 = arith.constant 32 : i32
    %dma_start3A_76 = arith.constant 0 : i32
    %dma_start3A_77 = tpu.memref_slice %arg12[%dma_start3A_76] : memref<100000xf32, #tpu.memory_space<hbm>> -> memref<100000xf32, #tpu.memory_space<hbm>>
    tpu.enqueue_indirect_dma source(%dma_start3A_77 : memref<100000xf32, #tpu.memory_space<hbm>>) target(%arg37 : memref<512xf32, #tpu.memory_space<vmem>>) offsets(%arg27 : memref<512xi32, #tpu.memory_space<vmem>>) semaphore(%arg40 : memref<!tpu.dma_semaphore, #tpu.memory_space<semaphore_mem>>)
    %scan3A_78 = arith.constant 0 : i32
    %scan3A_79 = arith.constant 0 : i32
    %scan3A_80 = arith.constant 32 : i32
    %scan3A_81 = arith.addi %scan3A_79, %scan3A_80 : i32
    %scan3A_82 = arith.constant 1 : i32
    %scan3A_83 = scf.for %scan3A_124 = %scan3A_79 to %scan3A_81 step %scan3A_82 iter_args(%scan3A_125 = %scan3A_78) -> (i32)  : i32 {
      %mul3A_126 = arith.constant 16 : i32
      %mul3A_127 = arith.muli %scan3A_124, %mul3A_126 : i32
      %mul3A_128 = arith.constant 26 : i32
      %mul3A_129 = arith.muli %mul3A_127, %mul3A_128 : i32
      %add3A_130 = arith.constant 24 : i32
      %add3A_131 = arith.addi %mul3A_129, %add3A_130 : i32
      %add3A_132 = vector.broadcast %add3A_131 : i32 to vector<16xi32>
      %add3A_133 = arith.addi %mul3A_7, %add3A_132 : vector<16xi32>
      %gather3A = tpu.vector_load_idx %arg16[%add3A_133] : memref<13312xi32, #tpu.memory_space<vmem>>[vector<16xi32>], vector<16xi32>,
      %mul3A_134 = arith.constant 16 : i32
      %mul3A_135 = arith.muli %scan3A_124, %mul3A_134 : i32
      %swap3A = arith.index_cast %mul3A_135 : i32 to index
      %swap3A_136 = tpu.vector_load %arg28[%swap3A] {strides = array<i32>} : memref<512xi32, #tpu.memory_space<vmem>>, vector<16xi32>,
      tpu.vector_store %arg28[%swap3A], %gather3A {strides = array<i32>} : memref<512xi32, #tpu.memory_space<vmem>>, vector<16xi32>,
      %scan3A_137 = arith.constant 0 : i32
      scf.yield %scan3A_137 : i32
    }
    %scan3A_84 = arith.constant 32 : i32
    %dma_start3A_85 = arith.constant 0 : i32
    %dma_start3A_86 = tpu.memref_slice %arg13[%dma_start3A_85] : memref<100000xf32, #tpu.memory_space<hbm>> -> memref<100000xf32, #tpu.memory_space<hbm>>
    tpu.enqueue_indirect_dma source(%dma_start3A_86 : memref<100000xf32, #tpu.memory_space<hbm>>) target(%arg38 : memref<512xf32, #tpu.memory_space<vmem>>) offsets(%arg28 : memref<512xi32, #tpu.memory_space<vmem>>) semaphore(%arg40 : memref<!tpu.dma_semaphore, #tpu.memory_space<semaphore_mem>>)
    %scan3A_87 = arith.constant 0 : i32
    %scan3A_88 = arith.constant 0 : i32
    %scan3A_89 = arith.constant 32 : i32
    %scan3A_90 = arith.addi %scan3A_88, %scan3A_89 : i32
    %scan3A_91 = arith.constant 1 : i32
    %scan3A_92 = scf.for %scan3A_124 = %scan3A_88 to %scan3A_90 step %scan3A_91 iter_args(%scan3A_125 = %scan3A_87) -> (i32)  : i32 {
      %mul3A_126 = arith.constant 16 : i32
      %mul3A_127 = arith.muli %scan3A_124, %mul3A_126 : i32
      %mul3A_128 = arith.constant 26 : i32
      %mul3A_129 = arith.muli %mul3A_127, %mul3A_128 : i32
      %add3A_130 = arith.constant 25 : i32
      %add3A_131 = arith.addi %mul3A_129, %add3A_130 : i32
      %add3A_132 = vector.broadcast %add3A_131 : i32 to vector<16xi32>
      %add3A_133 = arith.addi %mul3A_7, %add3A_132 : vector<16xi32>
      %gather3A = tpu.vector_load_idx %arg16[%add3A_133] : memref<13312xi32, #tpu.memory_space<vmem>>[vector<16xi32>], vector<16xi32>,
      %mul3A_134 = arith.constant 16 : i32
      %mul3A_135 = arith.muli %scan3A_124, %mul3A_134 : i32
      %swap3A = arith.index_cast %mul3A_135 : i32 to index
      %swap3A_136 = tpu.vector_load %arg29[%swap3A] {strides = array<i32>} : memref<512xi32, #tpu.memory_space<vmem>>, vector<16xi32>,
      tpu.vector_store %arg29[%swap3A], %gather3A {strides = array<i32>} : memref<512xi32, #tpu.memory_space<vmem>>, vector<16xi32>,
      %scan3A_137 = arith.constant 0 : i32
      scf.yield %scan3A_137 : i32
    }
    %scan3A_93 = arith.constant 32 : i32
    %dma_start3A_94 = arith.constant 0 : i32
    %dma_start3A_95 = tpu.memref_slice %arg14[%dma_start3A_94] : memref<100000xf32, #tpu.memory_space<hbm>> -> memref<100000xf32, #tpu.memory_space<hbm>>
    tpu.enqueue_indirect_dma source(%dma_start3A_95 : memref<100000xf32, #tpu.memory_space<hbm>>) target(%arg39 : memref<512xf32, #tpu.memory_space<vmem>>) offsets(%arg29 : memref<512xi32, #tpu.memory_space<vmem>>) semaphore(%arg40 : memref<!tpu.dma_semaphore, #tpu.memory_space<semaphore_mem>>)
    %dma_wait3A = arith.constant 0 : i32
    %dma_wait3A_96 = tpu.memref_slice %arg5[%dma_wait3A] : memref<100000xf32, #tpu.memory_space<hbm>> -> memref<100000xf32, #tpu.memory_space<hbm>>
    tpu.wait_indirect_dma semaphore(%arg40 : memref<!tpu.dma_semaphore, #tpu.memory_space<semaphore_mem>>) src(%dma_wait3A_96 : memref<100000xf32, #tpu.memory_space<hbm>>) dst(%arg30 : memref<512xf32, #tpu.memory_space<vmem>>)
    %dma_wait3A_97 = arith.constant 0 : i32
    %dma_wait3A_98 = tpu.memref_slice %arg6[%dma_wait3A_97] : memref<100000xf32, #tpu.memory_space<hbm>> -> memref<100000xf32, #tpu.memory_space<hbm>>
    tpu.wait_indirect_dma semaphore(%arg40 : memref<!tpu.dma_semaphore, #tpu.memory_space<semaphore_mem>>) src(%dma_wait3A_98 : memref<100000xf32, #tpu.memory_space<hbm>>) dst(%arg31 : memref<512xf32, #tpu.memory_space<vmem>>)
    %dma_wait3A_99 = arith.constant 0 : i32
    %dma_wait3A_100 = tpu.memref_slice %arg7[%dma_wait3A_99] : memref<100000xf32, #tpu.memory_space<hbm>> -> memref<100000xf32, #tpu.memory_space<hbm>>
    tpu.wait_indirect_dma semaphore(%arg40 : memref<!tpu.dma_semaphore, #tpu.memory_space<semaphore_mem>>) src(%dma_wait3A_100 : memref<100000xf32, #tpu.memory_space<hbm>>) dst(%arg32 : memref<512xf32, #tpu.memory_space<vmem>>)
    %dma_wait3A_101 = arith.constant 0 : i32
    %dma_wait3A_102 = tpu.memref_slice %arg8[%dma_wait3A_101] : memref<100000xf32, #tpu.memory_space<hbm>> -> memref<100000xf32, #tpu.memory_space<hbm>>
    tpu.wait_indirect_dma semaphore(%arg40 : memref<!tpu.dma_semaphore, #tpu.memory_space<semaphore_mem>>) src(%dma_wait3A_102 : memref<100000xf32, #tpu.memory_space<hbm>>) dst(%arg33 : memref<512xf32, #tpu.memory_space<vmem>>)
    %dma_wait3A_103 = arith.constant 0 : i32
    %dma_wait3A_104 = tpu.memref_slice %arg9[%dma_wait3A_103] : memref<100000xf32, #tpu.memory_space<hbm>> -> memref<100000xf32, #tpu.memory_space<hbm>>
    tpu.wait_indirect_dma semaphore(%arg40 : memref<!tpu.dma_semaphore, #tpu.memory_space<semaphore_mem>>) src(%dma_wait3A_104 : memref<100000xf32, #tpu.memory_space<hbm>>) dst(%arg34 : memref<512xf32, #tpu.memory_space<vmem>>)
    %dma_wait3A_105 = arith.constant 0 : i32
    %dma_wait3A_106 = tpu.memref_slice %arg10[%dma_wait3A_105] : memref<100000xf32, #tpu.memory_space<hbm>> -> memref<100000xf32, #tpu.memory_space<hbm>>
    tpu.wait_indirect_dma semaphore(%arg40 : memref<!tpu.dma_semaphore, #tpu.memory_space<semaphore_mem>>) src(%dma_wait3A_106 : memref<100000xf32, #tpu.memory_space<hbm>>) dst(%arg35 : memref<512xf32, #tpu.memory_space<vmem>>)
    %dma_wait3A_107 = arith.constant 0 : i32
    %dma_wait3A_108 = tpu.memref_slice %arg11[%dma_wait3A_107] : memref<100000xf32, #tpu.memory_space<hbm>> -> memref<100000xf32, #tpu.memory_space<hbm>>
    tpu.wait_indirect_dma semaphore(%arg40 : memref<!tpu.dma_semaphore, #tpu.memory_space<semaphore_mem>>) src(%dma_wait3A_108 : memref<100000xf32, #tpu.memory_space<hbm>>) dst(%arg36 : memref<512xf32, #tpu.memory_space<vmem>>)
    %dma_wait3A_109 = arith.constant 0 : i32
    %dma_wait3A_110 = tpu.memref_slice %arg12[%dma_wait3A_109] : memref<100000xf32, #tpu.memory_space<hbm>> -> memref<100000xf32, #tpu.memory_space<hbm>>
    tpu.wait_indirect_dma semaphore(%arg40 : memref<!tpu.dma_semaphore, #tpu.memory_space<semaphore_mem>>) src(%dma_wait3A_110 : memref<100000xf32, #tpu.memory_space<hbm>>) dst(%arg37 : memref<512xf32, #tpu.memory_space<vmem>>)
    %dma_wait3A_111 = arith.constant 0 : i32
    %dma_wait3A_112 = tpu.memref_slice %arg13[%dma_wait3A_111] : memref<100000xf32, #tpu.memory_space<hbm>> -> memref<100000xf32, #tpu.memory_space<hbm>>
    tpu.wait_indirect_dma semaphore(%arg40 : memref<!tpu.dma_semaphore, #tpu.memory_space<semaphore_mem>>) src(%dma_wait3A_112 : memref<100000xf32, #tpu.memory_space<hbm>>) dst(%arg38 : memref<512xf32, #tpu.memory_space<vmem>>)
    %dma_wait3A_113 = arith.constant 0 : i32
    %dma_wait3A_114 = tpu.memref_slice %arg14[%dma_wait3A_113] : memref<100000xf32, #tpu.memory_space<hbm>> -> memref<100000xf32, #tpu.memory_space<hbm>>
    tpu.wait_indirect_dma semaphore(%arg40 : memref<!tpu.dma_semaphore, #tpu.memory_space<semaphore_mem>>) src(%dma_wait3A_114 : memref<100000xf32, #tpu.memory_space<hbm>>) dst(%arg39 : memref<512xf32, #tpu.memory_space<vmem>>)
    %scan3A_115 = arith.constant 0 : i32
    %scan3A_116 = arith.constant 0 : i32
    %scan3A_117 = arith.constant 32 : i32
    %scan3A_118 = arith.addi %scan3A_116, %scan3A_117 : i32
    %scan3A_119 = arith.constant 1 : i32
    %scan3A_120 = scf.for %scan3A_124 = %scan3A_116 to %scan3A_118 step %scan3A_119 iter_args(%scan3A_125 = %scan3A_115) -> (i32)  : i32 {
      %mul3A_126 = arith.constant 16 : i32
      %mul3A_127 = arith.muli %scan3A_124, %mul3A_126 : i32
      %get3A = arith.index_cast %mul3A_127 : i32 to index
      %get3A_128 = tpu.vector_load %arg17[%get3A] {strides = array<i32>} : memref<512xf32, #tpu.memory_space<vmem>>, vector<16xf32>,
      %get3A_129 = arith.index_cast %mul3A_127 : i32 to index
      %get3A_130 = tpu.vector_load %arg18[%get3A_129] {strides = array<i32>} : memref<512xf32, #tpu.memory_space<vmem>>, vector<16xf32>,
      %add3A_131 = arith.addf %get3A_128, %get3A_130 : vector<16xf32>
      %get3A_132 = arith.index_cast %mul3A_127 : i32 to index
      %get3A_133 = tpu.vector_load %arg30[%get3A_132] {strides = array<i32>} : memref<512xf32, #tpu.memory_space<vmem>>, vector<16xf32>,
      %add3A_134 = arith.addf %add3A_131, %get3A_133 : vector<16xf32>
      %get3A_135 = arith.index_cast %mul3A_127 : i32 to index
      %get3A_136 = tpu.vector_load %arg31[%get3A_135] {strides = array<i32>} : memref<512xf32, #tpu.memory_space<vmem>>, vector<16xf32>,
      %add3A_137 = arith.addf %add3A_134, %get3A_136 : vector<16xf32>
      %get3A_138 = arith.index_cast %mul3A_127 : i32 to index
      %get3A_139 = tpu.vector_load %arg32[%get3A_138] {strides = array<i32>} : memref<512xf32, #tpu.memory_space<vmem>>, vector<16xf32>,
      %add3A_140 = arith.addf %add3A_137, %get3A_139 : vector<16xf32>
      %get3A_141 = arith.index_cast %mul3A_127 : i32 to index
      %get3A_142 = tpu.vector_load %arg33[%get3A_141] {strides = array<i32>} : memref<512xf32, #tpu.memory_space<vmem>>, vector<16xf32>,
      %add3A_143 = arith.addf %add3A_140, %get3A_142 : vector<16xf32>
      %get3A_144 = arith.index_cast %mul3A_127 : i32 to index
      %get3A_145 = tpu.vector_load %arg34[%get3A_144] {strides = array<i32>} : memref<512xf32, #tpu.memory_space<vmem>>, vector<16xf32>,
      %add3A_146 = arith.addf %add3A_143, %get3A_145 : vector<16xf32>
      %get3A_147 = arith.index_cast %mul3A_127 : i32 to index
      %get3A_148 = tpu.vector_load %arg35[%get3A_147] {strides = array<i32>} : memref<512xf32, #tpu.memory_space<vmem>>, vector<16xf32>,
      %add3A_149 = arith.addf %add3A_146, %get3A_148 : vector<16xf32>
      %get3A_150 = arith.index_cast %mul3A_127 : i32 to index
      %get3A_151 = tpu.vector_load %arg36[%get3A_150] {strides = array<i32>} : memref<512xf32, #tpu.memory_space<vmem>>, vector<16xf32>,
      %add3A_152 = arith.addf %add3A_149, %get3A_151 : vector<16xf32>
      %get3A_153 = arith.index_cast %mul3A_127 : i32 to index
      %get3A_154 = tpu.vector_load %arg37[%get3A_153] {strides = array<i32>} : memref<512xf32, #tpu.memory_space<vmem>>, vector<16xf32>,
      %add3A_155 = arith.addf %add3A_152, %get3A_154 : vector<16xf32>
      %get3A_156 = arith.index_cast %mul3A_127 : i32 to index
      %get3A_157 = tpu.vector_load %arg38[%get3A_156] {strides = array<i32>} : memref<512xf32, #tpu.memory_space<vmem>>, vector<16xf32>,
      %add3A_158 = arith.addf %add3A_155, %get3A_157 : vector<16xf32>
      %get3A_159 = arith.index_cast %mul3A_127 : i32 to index
      %get3A_160 = tpu.vector_load %arg39[%get3A_159] {strides = array<i32>} : memref<512xf32, #tpu.memory_space<vmem>>, vector<16xf32>,
      %add3A_161 = arith.addf %add3A_158, %get3A_160 : vector<16xf32>
      %swap3A = arith.index_cast %mul3A_127 : i32 to index
      %swap3A_162 = tpu.vector_load %arg19[%swap3A] {strides = array<i32>} : memref<512xf32, #tpu.memory_space<vmem>>, vector<16xf32>,
      tpu.vector_store %arg19[%swap3A], %add3A_161 {strides = array<i32>} : memref<512xf32, #tpu.memory_space<vmem>>, vector<16xf32>,
      %scan3A_163 = arith.constant 0 : i32
      scf.yield %scan3A_163 : i32
    }
    %scan3A_121 = arith.constant 32 : i32
    %mul3A_122 = arith.constant 512 : i32
    %mul3A_123 = arith.muli %add3A, %mul3A_122 : i32
    "tpu.region"() ({
      %run_scoped3A_124 = tpu.sem_alloc : memref<!tpu.dma_semaphore, #tpu.memory_space<semaphore_mem>>
      %dma_start3A_125 = tpu.memref_slice %arg15[%mul3A_123] : memref<16384xf32, #tpu.memory_space<hbm>> -> memref<512xf32, #tpu.memory_space<hbm>>
      %dma_start3A_126 = tpu.memref_slice %arg15[%mul3A_123] : memref<16384xf32, #tpu.memory_space<hbm>> -> memref<512xf32, #tpu.memory_space<hbm>>
      tpu.enqueue_dma source(%arg19 : memref<512xf32, #tpu.memory_space<vmem>>) target(%dma_start3A_126 : memref<512xf32, #tpu.memory_space<hbm>>) target_semaphore(%run_scoped3A_124 : memref<!tpu.dma_semaphore, #tpu.memory_space<semaphore_mem>>)
      %dma_wait3A_127 = tpu.memref_slice %arg15[%mul3A_123] : memref<16384xf32, #tpu.memory_space<hbm>> -> memref<512xf32, #tpu.memory_space<hbm>>
      %dma_wait3A_128 = tpu.memref_slice %arg15[%mul3A_123] : memref<16384xf32, #tpu.memory_space<hbm>> -> memref<512xf32, #tpu.memory_space<hbm>>
      tpu.wait_dma2 semaphore(%run_scoped3A_124 : memref<!tpu.dma_semaphore, #tpu.memory_space<semaphore_mem>>) src(%arg19 : memref<512xf32, #tpu.memory_space<vmem>>) dst(%dma_wait3A_128 : memref<512xf32, #tpu.memory_space<hbm>>)
      tpu.yield
    }) : () -> ()
    return
  }
}

#map = affine_map<(d0, d1) -> (0, 0)>
#map1 = affine_map<(d0, d1) -> (0)>
module attributes {stable_mosaic.version = 14 : i64} {
  func.func @_lr_body_a(%arg0: i32, %arg1: i32, %arg2: memref<32x13312xi32, #tpu.memory_space<hbm>>, %arg3: memref<100000xf32, #tpu.memory_space<hbm>>, %arg4: memref<100000xf32, #tpu.memory_space<hbm>>, %arg5: memref<100000xf32, #tpu.memory_space<hbm>>, %arg6: memref<100000xf32, #tpu.memory_space<hbm>>, %arg7: memref<100000xf32, #tpu.memory_space<hbm>>, %arg8: memref<100000xf32, #tpu.memory_space<hbm>>, %arg9: memref<100000xf32, #tpu.memory_space<hbm>>, %arg10: memref<100000xf32, #tpu.memory_space<hbm>>, %arg11: memref<100000xf32, #tpu.memory_space<hbm>>, %arg12: memref<100000xf32, #tpu.memory_space<hbm>>, %arg13: memref<100000xf32, #tpu.memory_space<hbm>>, %arg14: memref<100000xf32, #tpu.memory_space<hbm>>, %arg15: memref<100000xf32, #tpu.memory_space<hbm>>, %arg16: memref<100000xf32, #tpu.memory_space<hbm>>, %arg17: memref<100000xf32, #tpu.memory_space<hbm>>, %arg18: memref<100000xf32, #tpu.memory_space<hbm>>, %arg19: memref<16384xf32, #tpu.memory_space<hbm>>, %arg20: memref<13312xi32, #tpu.memory_space<vmem>>, %arg21: memref<512xf32, #tpu.memory_space<vmem>>, %arg22: memref<512xi32, #tpu.memory_space<vmem>>, %arg23: memref<512xi32, #tpu.memory_space<vmem>>, %arg24: memref<512xi32, #tpu.memory_space<vmem>>, %arg25: memref<512xi32, #tpu.memory_space<vmem>>, %arg26: memref<512xi32, #tpu.memory_space<vmem>>, %arg27: memref<512xi32, #tpu.memory_space<vmem>>, %arg28: memref<512xi32, #tpu.memory_space<vmem>>, %arg29: memref<512xi32, #tpu.memory_space<vmem>>, %arg30: memref<512xi32, #tpu.memory_space<vmem>>, %arg31: memref<512xi32, #tpu.memory_space<vmem>>, %arg32: memref<512xi32, #tpu.memory_space<vmem>>, %arg33: memref<512xi32, #tpu.memory_space<vmem>>, %arg34: memref<512xi32, #tpu.memory_space<vmem>>, %arg35: memref<512xi32, #tpu.memory_space<vmem>>, %arg36: memref<512xi32, #tpu.memory_space<vmem>>, %arg37: memref<512xi32, #tpu.memory_space<vmem>>, %arg38: memref<512xf32, #tpu.memory_space<vmem>>, %arg39: memref<512xf32, #tpu.memory_space<vmem>>, %arg40: memref<512xf32, #tpu.memory_space<vmem>>, %arg41: memref<512xf32, #tpu.memory_space<vmem>>, %arg42: memref<512xf32, #tpu.memory_space<vmem>>, %arg43: memref<512xf32, #tpu.memory_space<vmem>>, %arg44: memref<512xf32, #tpu.memory_space<vmem>>, %arg45: memref<512xf32, #tpu.memory_space<vmem>>, %arg46: memref<512xf32, #tpu.memory_space<vmem>>, %arg47: memref<512xf32, #tpu.memory_space<vmem>>, %arg48: memref<512xf32, #tpu.memory_space<vmem>>, %arg49: memref<512xf32, #tpu.memory_space<vmem>>, %arg50: memref<512xf32, #tpu.memory_space<vmem>>, %arg51: memref<512xf32, #tpu.memory_space<vmem>>, %arg52: memref<512xf32, #tpu.memory_space<vmem>>, %arg53: memref<512xf32, #tpu.memory_space<vmem>>, %arg54: memref<!tpu.dma_semaphore, #tpu.memory_space<semaphore_mem>>) attributes {dimension_semantics = [#tpu.dimension_semantics<core_parallel>, #tpu.dimension_semantics<subcore_parallel>], iteration_bounds = array<i64: 2, 16>, scalar_prefetch = 0 : i64, scratch_operands = 35 : i64, tpu.core_type = #tpu.core_type<sc_vector_subcore>, window_params = [{transform_indices = #map}, {transform_indices = #map1}, {transform_indices = #map1}, {transform_indices = #map1}, {transform_indices = #map1}, {transform_indices = #map1}, {transform_indices = #map1}, {transform_indices = #map1}, {transform_indices = #map1}, {transform_indices = #map1}, {transform_indices = #map1}, {transform_indices = #map1}, {transform_indices = #map1}, {transform_indices = #map1}, {transform_indices = #map1}, {transform_indices = #map1}, {transform_indices = #map1}, {transform_indices = #map1}]} {
    %mul3A = arith.constant 2 : i32
    %mul3A_0 = arith.muli %arg1, %mul3A : i32
    %add3A = arith.addi %mul3A_0, %arg0 : i32
    "tpu.region"() ({
      %run_scoped3A = tpu.sem_alloc : memref<!tpu.dma_semaphore, #tpu.memory_space<semaphore_mem>>
      %dma_start3A_186 = arith.constant 0 : i32
      %dma_start3A_187 = tpu.memref_slice %arg2[%add3A, %dma_start3A_186] : memref<32x13312xi32, #tpu.memory_space<hbm>> -> memref<1x13312xi32, #tpu.memory_space<hbm>>
      %dma_start3A_188 = tpu.memref_squeeze %dma_start3A_187 : memref<1x13312xi32, #tpu.memory_space<hbm>> -> memref<13312xi32, #tpu.memory_space<hbm>>
      %dma_start3A_189 = arith.constant 0 : i32
      %dma_start3A_190 = tpu.memref_slice %arg2[%add3A, %dma_start3A_189] : memref<32x13312xi32, #tpu.memory_space<hbm>> -> memref<1x13312xi32, #tpu.memory_space<hbm>>
      %dma_start3A_191 = tpu.memref_squeeze %dma_start3A_190 : memref<1x13312xi32, #tpu.memory_space<hbm>> -> memref<13312xi32, #tpu.memory_space<hbm>>
      tpu.enqueue_dma source(%dma_start3A_191 : memref<13312xi32, #tpu.memory_space<hbm>>) target(%arg20 : memref<13312xi32, #tpu.memory_space<vmem>>) target_semaphore(%run_scoped3A : memref<!tpu.dma_semaphore, #tpu.memory_space<semaphore_mem>>)
      %dma_wait3A_192 = arith.constant 0 : i32
      %dma_wait3A_193 = tpu.memref_slice %arg2[%add3A, %dma_wait3A_192] : memref<32x13312xi32, #tpu.memory_space<hbm>> -> memref<1x13312xi32, #tpu.memory_space<hbm>>
      %dma_wait3A_194 = tpu.memref_squeeze %dma_wait3A_193 : memref<1x13312xi32, #tpu.memory_space<hbm>> -> memref<13312xi32, #tpu.memory_space<hbm>>
      %dma_wait3A_195 = arith.constant 0 : i32
      %dma_wait3A_196 = tpu.memref_slice %arg2[%add3A, %dma_wait3A_195] : memref<32x13312xi32, #tpu.memory_space<hbm>> -> memref<1x13312xi32, #tpu.memory_space<hbm>>
      %dma_wait3A_197 = tpu.memref_squeeze %dma_wait3A_196 : memref<1x13312xi32, #tpu.memory_space<hbm>> -> memref<13312xi32, #tpu.memory_space<hbm>>
      tpu.wait_dma2 semaphore(%run_scoped3A : memref<!tpu.dma_semaphore, #tpu.memory_space<semaphore_mem>>) src(%dma_wait3A_197 : memref<13312xi32, #tpu.memory_space<hbm>>) dst(%arg20 : memref<13312xi32, #tpu.memory_space<vmem>>)
      tpu.yield
    }) : () -> ()
    %iota3A = tpu.iota {dimensions = array<i32: 0>} : vector<16xi32>
    %mul3A_1 = arith.constant 26 : i32
    %mul3A_2 = vector.broadcast %mul3A_1 : i32 to vector<16xi32>
    %mul3A_3 = arith.muli %iota3A, %mul3A_2 : vector<16xi32>
    %scan3A = arith.constant 0 : i32
    %scan3A_4 = arith.constant 0 : i32
    %scan3A_5 = arith.constant 32 : i32
    %scan3A_6 = arith.addi %scan3A_4, %scan3A_5 : i32
    %scan3A_7 = arith.constant 1 : i32
    %scan3A_8 = scf.for %scan3A_186 = %scan3A_4 to %scan3A_6 step %scan3A_7 iter_args(%scan3A_187 = %scan3A) -> (i32)  : i32 {
      %mul3A_188 = arith.constant 16 : i32
      %mul3A_189 = arith.muli %scan3A_186, %mul3A_188 : i32
      %mul3A_190 = arith.constant 26 : i32
      %mul3A_191 = arith.muli %mul3A_189, %mul3A_190 : i32
      %add3A_192 = arith.constant 0 : i32
      %add3A_193 = arith.addi %mul3A_191, %add3A_192 : i32
      %add3A_194 = vector.broadcast %add3A_193 : i32 to vector<16xi32>
      %add3A_195 = arith.addi %mul3A_3, %add3A_194 : vector<16xi32>
      %gather3A = tpu.vector_load_idx %arg20[%add3A_195] : memref<13312xi32, #tpu.memory_space<vmem>>[vector<16xi32>], vector<16xi32>,
      %mul3A_196 = arith.constant 16 : i32
      %mul3A_197 = arith.muli %scan3A_186, %mul3A_196 : i32
      %swap3A = arith.index_cast %mul3A_197 : i32 to index
      %swap3A_198 = tpu.vector_load %arg22[%swap3A] {strides = array<i32>} : memref<512xi32, #tpu.memory_space<vmem>>, vector<16xi32>,
      tpu.vector_store %arg22[%swap3A], %gather3A {strides = array<i32>} : memref<512xi32, #tpu.memory_space<vmem>>, vector<16xi32>,
      %scan3A_199 = arith.constant 0 : i32
      scf.yield %scan3A_199 : i32
    }
    %scan3A_9 = arith.constant 32 : i32
    %dma_start3A = arith.constant 0 : i32
    %dma_start3A_10 = tpu.memref_slice %arg3[%dma_start3A] : memref<100000xf32, #tpu.memory_space<hbm>> -> memref<100000xf32, #tpu.memory_space<hbm>>
    tpu.enqueue_indirect_dma source(%dma_start3A_10 : memref<100000xf32, #tpu.memory_space<hbm>>) target(%arg38 : memref<512xf32, #tpu.memory_space<vmem>>) offsets(%arg22 : memref<512xi32, #tpu.memory_space<vmem>>) semaphore(%arg54 : memref<!tpu.dma_semaphore, #tpu.memory_space<semaphore_mem>>)
    %scan3A_11 = arith.constant 0 : i32
    %scan3A_12 = arith.constant 0 : i32
    %scan3A_13 = arith.constant 32 : i32
    %scan3A_14 = arith.addi %scan3A_12, %scan3A_13 : i32
    %scan3A_15 = arith.constant 1 : i32
    %scan3A_16 = scf.for %scan3A_186 = %scan3A_12 to %scan3A_14 step %scan3A_15 iter_args(%scan3A_187 = %scan3A_11) -> (i32)  : i32 {
      %mul3A_188 = arith.constant 16 : i32
      %mul3A_189 = arith.muli %scan3A_186, %mul3A_188 : i32
      %mul3A_190 = arith.constant 26 : i32
      %mul3A_191 = arith.muli %mul3A_189, %mul3A_190 : i32
      %add3A_192 = arith.constant 1 : i32
      %add3A_193 = arith.addi %mul3A_191, %add3A_192 : i32
      %add3A_194 = vector.broadcast %add3A_193 : i32 to vector<16xi32>
      %add3A_195 = arith.addi %mul3A_3, %add3A_194 : vector<16xi32>
      %gather3A = tpu.vector_load_idx %arg20[%add3A_195] : memref<13312xi32, #tpu.memory_space<vmem>>[vector<16xi32>], vector<16xi32>,
      %mul3A_196 = arith.constant 16 : i32
      %mul3A_197 = arith.muli %scan3A_186, %mul3A_196 : i32
      %swap3A = arith.index_cast %mul3A_197 : i32 to index
      %swap3A_198 = tpu.vector_load %arg23[%swap3A] {strides = array<i32>} : memref<512xi32, #tpu.memory_space<vmem>>, vector<16xi32>,
      tpu.vector_store %arg23[%swap3A], %gather3A {strides = array<i32>} : memref<512xi32, #tpu.memory_space<vmem>>, vector<16xi32>,
      %scan3A_199 = arith.constant 0 : i32
      scf.yield %scan3A_199 : i32
    }
    %scan3A_17 = arith.constant 32 : i32
    %dma_start3A_18 = arith.constant 0 : i32
    %dma_start3A_19 = tpu.memref_slice %arg4[%dma_start3A_18] : memref<100000xf32, #tpu.memory_space<hbm>> -> memref<100000xf32, #tpu.memory_space<hbm>>
    tpu.enqueue_indirect_dma source(%dma_start3A_19 : memref<100000xf32, #tpu.memory_space<hbm>>) target(%arg39 : memref<512xf32, #tpu.memory_space<vmem>>) offsets(%arg23 : memref<512xi32, #tpu.memory_space<vmem>>) semaphore(%arg54 : memref<!tpu.dma_semaphore, #tpu.memory_space<semaphore_mem>>)
    %scan3A_20 = arith.constant 0 : i32
    %scan3A_21 = arith.constant 0 : i32
    %scan3A_22 = arith.constant 32 : i32
    %scan3A_23 = arith.addi %scan3A_21, %scan3A_22 : i32
    %scan3A_24 = arith.constant 1 : i32
    %scan3A_25 = scf.for %scan3A_186 = %scan3A_21 to %scan3A_23 step %scan3A_24 iter_args(%scan3A_187 = %scan3A_20) -> (i32)  : i32 {
      %mul3A_188 = arith.constant 16 : i32
      %mul3A_189 = arith.muli %scan3A_186, %mul3A_188 : i32
      %mul3A_190 = arith.constant 26 : i32
      %mul3A_191 = arith.muli %mul3A_189, %mul3A_190 : i32
      %add3A_192 = arith.constant 2 : i32
      %add3A_193 = arith.addi %mul3A_191, %add3A_192 : i32
      %add3A_194 = vector.broadcast %add3A_193 : i32 to vector<16xi32>
      %add3A_195 = arith.addi %mul3A_3, %add3A_194 : vector<16xi32>
      %gather3A = tpu.vector_load_idx %arg20[%add3A_195] : memref<13312xi32, #tpu.memory_space<vmem>>[vector<16xi32>], vector<16xi32>,
      %mul3A_196 = arith.constant 16 : i32
      %mul3A_197 = arith.muli %scan3A_186, %mul3A_196 : i32
      %swap3A = arith.index_cast %mul3A_197 : i32 to index
      %swap3A_198 = tpu.vector_load %arg24[%swap3A] {strides = array<i32>} : memref<512xi32, #tpu.memory_space<vmem>>, vector<16xi32>,
      tpu.vector_store %arg24[%swap3A], %gather3A {strides = array<i32>} : memref<512xi32, #tpu.memory_space<vmem>>, vector<16xi32>,
      %scan3A_199 = arith.constant 0 : i32
      scf.yield %scan3A_199 : i32
    }
    %scan3A_26 = arith.constant 32 : i32
    %dma_start3A_27 = arith.constant 0 : i32
    %dma_start3A_28 = tpu.memref_slice %arg5[%dma_start3A_27] : memref<100000xf32, #tpu.memory_space<hbm>> -> memref<100000xf32, #tpu.memory_space<hbm>>
    tpu.enqueue_indirect_dma source(%dma_start3A_28 : memref<100000xf32, #tpu.memory_space<hbm>>) target(%arg40 : memref<512xf32, #tpu.memory_space<vmem>>) offsets(%arg24 : memref<512xi32, #tpu.memory_space<vmem>>) semaphore(%arg54 : memref<!tpu.dma_semaphore, #tpu.memory_space<semaphore_mem>>)
    %scan3A_29 = arith.constant 0 : i32
    %scan3A_30 = arith.constant 0 : i32
    %scan3A_31 = arith.constant 32 : i32
    %scan3A_32 = arith.addi %scan3A_30, %scan3A_31 : i32
    %scan3A_33 = arith.constant 1 : i32
    %scan3A_34 = scf.for %scan3A_186 = %scan3A_30 to %scan3A_32 step %scan3A_33 iter_args(%scan3A_187 = %scan3A_29) -> (i32)  : i32 {
      %mul3A_188 = arith.constant 16 : i32
      %mul3A_189 = arith.muli %scan3A_186, %mul3A_188 : i32
      %mul3A_190 = arith.constant 26 : i32
      %mul3A_191 = arith.muli %mul3A_189, %mul3A_190 : i32
      %add3A_192 = arith.constant 3 : i32
      %add3A_193 = arith.addi %mul3A_191, %add3A_192 : i32
      %add3A_194 = vector.broadcast %add3A_193 : i32 to vector<16xi32>
      %add3A_195 = arith.addi %mul3A_3, %add3A_194 : vector<16xi32>
      %gather3A = tpu.vector_load_idx %arg20[%add3A_195] : memref<13312xi32, #tpu.memory_space<vmem>>[vector<16xi32>], vector<16xi32>,
      %mul3A_196 = arith.constant 16 : i32
      %mul3A_197 = arith.muli %scan3A_186, %mul3A_196 : i32
      %swap3A = arith.index_cast %mul3A_197 : i32 to index
      %swap3A_198 = tpu.vector_load %arg25[%swap3A] {strides = array<i32>} : memref<512xi32, #tpu.memory_space<vmem>>, vector<16xi32>,
      tpu.vector_store %arg25[%swap3A], %gather3A {strides = array<i32>} : memref<512xi32, #tpu.memory_space<vmem>>, vector<16xi32>,
      %scan3A_199 = arith.constant 0 : i32
      scf.yield %scan3A_199 : i32
    }
    %scan3A_35 = arith.constant 32 : i32
    %dma_start3A_36 = arith.constant 0 : i32
    %dma_start3A_37 = tpu.memref_slice %arg6[%dma_start3A_36] : memref<100000xf32, #tpu.memory_space<hbm>> -> memref<100000xf32, #tpu.memory_space<hbm>>
    tpu.enqueue_indirect_dma source(%dma_start3A_37 : memref<100000xf32, #tpu.memory_space<hbm>>) target(%arg41 : memref<512xf32, #tpu.memory_space<vmem>>) offsets(%arg25 : memref<512xi32, #tpu.memory_space<vmem>>) semaphore(%arg54 : memref<!tpu.dma_semaphore, #tpu.memory_space<semaphore_mem>>)
    %scan3A_38 = arith.constant 0 : i32
    %scan3A_39 = arith.constant 0 : i32
    %scan3A_40 = arith.constant 32 : i32
    %scan3A_41 = arith.addi %scan3A_39, %scan3A_40 : i32
    %scan3A_42 = arith.constant 1 : i32
    %scan3A_43 = scf.for %scan3A_186 = %scan3A_39 to %scan3A_41 step %scan3A_42 iter_args(%scan3A_187 = %scan3A_38) -> (i32)  : i32 {
      %mul3A_188 = arith.constant 16 : i32
      %mul3A_189 = arith.muli %scan3A_186, %mul3A_188 : i32
      %mul3A_190 = arith.constant 26 : i32
      %mul3A_191 = arith.muli %mul3A_189, %mul3A_190 : i32
      %add3A_192 = arith.constant 4 : i32
      %add3A_193 = arith.addi %mul3A_191, %add3A_192 : i32
      %add3A_194 = vector.broadcast %add3A_193 : i32 to vector<16xi32>
      %add3A_195 = arith.addi %mul3A_3, %add3A_194 : vector<16xi32>
      %gather3A = tpu.vector_load_idx %arg20[%add3A_195] : memref<13312xi32, #tpu.memory_space<vmem>>[vector<16xi32>], vector<16xi32>,
      %mul3A_196 = arith.constant 16 : i32
      %mul3A_197 = arith.muli %scan3A_186, %mul3A_196 : i32
      %swap3A = arith.index_cast %mul3A_197 : i32 to index
      %swap3A_198 = tpu.vector_load %arg26[%swap3A] {strides = array<i32>} : memref<512xi32, #tpu.memory_space<vmem>>, vector<16xi32>,
      tpu.vector_store %arg26[%swap3A], %gather3A {strides = array<i32>} : memref<512xi32, #tpu.memory_space<vmem>>, vector<16xi32>,
      %scan3A_199 = arith.constant 0 : i32
      scf.yield %scan3A_199 : i32
    }
    %scan3A_44 = arith.constant 32 : i32
    %dma_start3A_45 = arith.constant 0 : i32
    %dma_start3A_46 = tpu.memref_slice %arg7[%dma_start3A_45] : memref<100000xf32, #tpu.memory_space<hbm>> -> memref<100000xf32, #tpu.memory_space<hbm>>
    tpu.enqueue_indirect_dma source(%dma_start3A_46 : memref<100000xf32, #tpu.memory_space<hbm>>) target(%arg42 : memref<512xf32, #tpu.memory_space<vmem>>) offsets(%arg26 : memref<512xi32, #tpu.memory_space<vmem>>) semaphore(%arg54 : memref<!tpu.dma_semaphore, #tpu.memory_space<semaphore_mem>>)
    %scan3A_47 = arith.constant 0 : i32
    %scan3A_48 = arith.constant 0 : i32
    %scan3A_49 = arith.constant 32 : i32
    %scan3A_50 = arith.addi %scan3A_48, %scan3A_49 : i32
    %scan3A_51 = arith.constant 1 : i32
    %scan3A_52 = scf.for %scan3A_186 = %scan3A_48 to %scan3A_50 step %scan3A_51 iter_args(%scan3A_187 = %scan3A_47) -> (i32)  : i32 {
      %mul3A_188 = arith.constant 16 : i32
      %mul3A_189 = arith.muli %scan3A_186, %mul3A_188 : i32
      %mul3A_190 = arith.constant 26 : i32
      %mul3A_191 = arith.muli %mul3A_189, %mul3A_190 : i32
      %add3A_192 = arith.constant 5 : i32
      %add3A_193 = arith.addi %mul3A_191, %add3A_192 : i32
      %add3A_194 = vector.broadcast %add3A_193 : i32 to vector<16xi32>
      %add3A_195 = arith.addi %mul3A_3, %add3A_194 : vector<16xi32>
      %gather3A = tpu.vector_load_idx %arg20[%add3A_195] : memref<13312xi32, #tpu.memory_space<vmem>>[vector<16xi32>], vector<16xi32>,
      %mul3A_196 = arith.constant 16 : i32
      %mul3A_197 = arith.muli %scan3A_186, %mul3A_196 : i32
      %swap3A = arith.index_cast %mul3A_197 : i32 to index
      %swap3A_198 = tpu.vector_load %arg27[%swap3A] {strides = array<i32>} : memref<512xi32, #tpu.memory_space<vmem>>, vector<16xi32>,
      tpu.vector_store %arg27[%swap3A], %gather3A {strides = array<i32>} : memref<512xi32, #tpu.memory_space<vmem>>, vector<16xi32>,
      %scan3A_199 = arith.constant 0 : i32
      scf.yield %scan3A_199 : i32
    }
    %scan3A_53 = arith.constant 32 : i32
    %dma_start3A_54 = arith.constant 0 : i32
    %dma_start3A_55 = tpu.memref_slice %arg8[%dma_start3A_54] : memref<100000xf32, #tpu.memory_space<hbm>> -> memref<100000xf32, #tpu.memory_space<hbm>>
    tpu.enqueue_indirect_dma source(%dma_start3A_55 : memref<100000xf32, #tpu.memory_space<hbm>>) target(%arg43 : memref<512xf32, #tpu.memory_space<vmem>>) offsets(%arg27 : memref<512xi32, #tpu.memory_space<vmem>>) semaphore(%arg54 : memref<!tpu.dma_semaphore, #tpu.memory_space<semaphore_mem>>)
    %scan3A_56 = arith.constant 0 : i32
    %scan3A_57 = arith.constant 0 : i32
    %scan3A_58 = arith.constant 32 : i32
    %scan3A_59 = arith.addi %scan3A_57, %scan3A_58 : i32
    %scan3A_60 = arith.constant 1 : i32
    %scan3A_61 = scf.for %scan3A_186 = %scan3A_57 to %scan3A_59 step %scan3A_60 iter_args(%scan3A_187 = %scan3A_56) -> (i32)  : i32 {
      %mul3A_188 = arith.constant 16 : i32
      %mul3A_189 = arith.muli %scan3A_186, %mul3A_188 : i32
      %mul3A_190 = arith.constant 26 : i32
      %mul3A_191 = arith.muli %mul3A_189, %mul3A_190 : i32
      %add3A_192 = arith.constant 6 : i32
      %add3A_193 = arith.addi %mul3A_191, %add3A_192 : i32
      %add3A_194 = vector.broadcast %add3A_193 : i32 to vector<16xi32>
      %add3A_195 = arith.addi %mul3A_3, %add3A_194 : vector<16xi32>
      %gather3A = tpu.vector_load_idx %arg20[%add3A_195] : memref<13312xi32, #tpu.memory_space<vmem>>[vector<16xi32>], vector<16xi32>,
      %mul3A_196 = arith.constant 16 : i32
      %mul3A_197 = arith.muli %scan3A_186, %mul3A_196 : i32
      %swap3A = arith.index_cast %mul3A_197 : i32 to index
      %swap3A_198 = tpu.vector_load %arg28[%swap3A] {strides = array<i32>} : memref<512xi32, #tpu.memory_space<vmem>>, vector<16xi32>,
      tpu.vector_store %arg28[%swap3A], %gather3A {strides = array<i32>} : memref<512xi32, #tpu.memory_space<vmem>>, vector<16xi32>,
      %scan3A_199 = arith.constant 0 : i32
      scf.yield %scan3A_199 : i32
    }
    %scan3A_62 = arith.constant 32 : i32
    %dma_start3A_63 = arith.constant 0 : i32
    %dma_start3A_64 = tpu.memref_slice %arg9[%dma_start3A_63] : memref<100000xf32, #tpu.memory_space<hbm>> -> memref<100000xf32, #tpu.memory_space<hbm>>
    tpu.enqueue_indirect_dma source(%dma_start3A_64 : memref<100000xf32, #tpu.memory_space<hbm>>) target(%arg44 : memref<512xf32, #tpu.memory_space<vmem>>) offsets(%arg28 : memref<512xi32, #tpu.memory_space<vmem>>) semaphore(%arg54 : memref<!tpu.dma_semaphore, #tpu.memory_space<semaphore_mem>>)
    %scan3A_65 = arith.constant 0 : i32
    %scan3A_66 = arith.constant 0 : i32
    %scan3A_67 = arith.constant 32 : i32
    %scan3A_68 = arith.addi %scan3A_66, %scan3A_67 : i32
    %scan3A_69 = arith.constant 1 : i32
    %scan3A_70 = scf.for %scan3A_186 = %scan3A_66 to %scan3A_68 step %scan3A_69 iter_args(%scan3A_187 = %scan3A_65) -> (i32)  : i32 {
      %mul3A_188 = arith.constant 16 : i32
      %mul3A_189 = arith.muli %scan3A_186, %mul3A_188 : i32
      %mul3A_190 = arith.constant 26 : i32
      %mul3A_191 = arith.muli %mul3A_189, %mul3A_190 : i32
      %add3A_192 = arith.constant 7 : i32
      %add3A_193 = arith.addi %mul3A_191, %add3A_192 : i32
      %add3A_194 = vector.broadcast %add3A_193 : i32 to vector<16xi32>
      %add3A_195 = arith.addi %mul3A_3, %add3A_194 : vector<16xi32>
      %gather3A = tpu.vector_load_idx %arg20[%add3A_195] : memref<13312xi32, #tpu.memory_space<vmem>>[vector<16xi32>], vector<16xi32>,
      %mul3A_196 = arith.constant 16 : i32
      %mul3A_197 = arith.muli %scan3A_186, %mul3A_196 : i32
      %swap3A = arith.index_cast %mul3A_197 : i32 to index
      %swap3A_198 = tpu.vector_load %arg29[%swap3A] {strides = array<i32>} : memref<512xi32, #tpu.memory_space<vmem>>, vector<16xi32>,
      tpu.vector_store %arg29[%swap3A], %gather3A {strides = array<i32>} : memref<512xi32, #tpu.memory_space<vmem>>, vector<16xi32>,
      %scan3A_199 = arith.constant 0 : i32
      scf.yield %scan3A_199 : i32
    }
    %scan3A_71 = arith.constant 32 : i32
    %dma_start3A_72 = arith.constant 0 : i32
    %dma_start3A_73 = tpu.memref_slice %arg10[%dma_start3A_72] : memref<100000xf32, #tpu.memory_space<hbm>> -> memref<100000xf32, #tpu.memory_space<hbm>>
    tpu.enqueue_indirect_dma source(%dma_start3A_73 : memref<100000xf32, #tpu.memory_space<hbm>>) target(%arg45 : memref<512xf32, #tpu.memory_space<vmem>>) offsets(%arg29 : memref<512xi32, #tpu.memory_space<vmem>>) semaphore(%arg54 : memref<!tpu.dma_semaphore, #tpu.memory_space<semaphore_mem>>)
    %scan3A_74 = arith.constant 0 : i32
    %scan3A_75 = arith.constant 0 : i32
    %scan3A_76 = arith.constant 32 : i32
    %scan3A_77 = arith.addi %scan3A_75, %scan3A_76 : i32
    %scan3A_78 = arith.constant 1 : i32
    %scan3A_79 = scf.for %scan3A_186 = %scan3A_75 to %scan3A_77 step %scan3A_78 iter_args(%scan3A_187 = %scan3A_74) -> (i32)  : i32 {
      %mul3A_188 = arith.constant 16 : i32
      %mul3A_189 = arith.muli %scan3A_186, %mul3A_188 : i32
      %mul3A_190 = arith.constant 26 : i32
      %mul3A_191 = arith.muli %mul3A_189, %mul3A_190 : i32
      %add3A_192 = arith.constant 8 : i32
      %add3A_193 = arith.addi %mul3A_191, %add3A_192 : i32
      %add3A_194 = vector.broadcast %add3A_193 : i32 to vector<16xi32>
      %add3A_195 = arith.addi %mul3A_3, %add3A_194 : vector<16xi32>
      %gather3A = tpu.vector_load_idx %arg20[%add3A_195] : memref<13312xi32, #tpu.memory_space<vmem>>[vector<16xi32>], vector<16xi32>,
      %mul3A_196 = arith.constant 16 : i32
      %mul3A_197 = arith.muli %scan3A_186, %mul3A_196 : i32
      %swap3A = arith.index_cast %mul3A_197 : i32 to index
      %swap3A_198 = tpu.vector_load %arg30[%swap3A] {strides = array<i32>} : memref<512xi32, #tpu.memory_space<vmem>>, vector<16xi32>,
      tpu.vector_store %arg30[%swap3A], %gather3A {strides = array<i32>} : memref<512xi32, #tpu.memory_space<vmem>>, vector<16xi32>,
      %scan3A_199 = arith.constant 0 : i32
      scf.yield %scan3A_199 : i32
    }
    %scan3A_80 = arith.constant 32 : i32
    %dma_start3A_81 = arith.constant 0 : i32
    %dma_start3A_82 = tpu.memref_slice %arg11[%dma_start3A_81] : memref<100000xf32, #tpu.memory_space<hbm>> -> memref<100000xf32, #tpu.memory_space<hbm>>
    tpu.enqueue_indirect_dma source(%dma_start3A_82 : memref<100000xf32, #tpu.memory_space<hbm>>) target(%arg46 : memref<512xf32, #tpu.memory_space<vmem>>) offsets(%arg30 : memref<512xi32, #tpu.memory_space<vmem>>) semaphore(%arg54 : memref<!tpu.dma_semaphore, #tpu.memory_space<semaphore_mem>>)
    %scan3A_83 = arith.constant 0 : i32
    %scan3A_84 = arith.constant 0 : i32
    %scan3A_85 = arith.constant 32 : i32
    %scan3A_86 = arith.addi %scan3A_84, %scan3A_85 : i32
    %scan3A_87 = arith.constant 1 : i32
    %scan3A_88 = scf.for %scan3A_186 = %scan3A_84 to %scan3A_86 step %scan3A_87 iter_args(%scan3A_187 = %scan3A_83) -> (i32)  : i32 {
      %mul3A_188 = arith.constant 16 : i32
      %mul3A_189 = arith.muli %scan3A_186, %mul3A_188 : i32
      %mul3A_190 = arith.constant 26 : i32
      %mul3A_191 = arith.muli %mul3A_189, %mul3A_190 : i32
      %add3A_192 = arith.constant 9 : i32
      %add3A_193 = arith.addi %mul3A_191, %add3A_192 : i32
      %add3A_194 = vector.broadcast %add3A_193 : i32 to vector<16xi32>
      %add3A_195 = arith.addi %mul3A_3, %add3A_194 : vector<16xi32>
      %gather3A = tpu.vector_load_idx %arg20[%add3A_195] : memref<13312xi32, #tpu.memory_space<vmem>>[vector<16xi32>], vector<16xi32>,
      %mul3A_196 = arith.constant 16 : i32
      %mul3A_197 = arith.muli %scan3A_186, %mul3A_196 : i32
      %swap3A = arith.index_cast %mul3A_197 : i32 to index
      %swap3A_198 = tpu.vector_load %arg31[%swap3A] {strides = array<i32>} : memref<512xi32, #tpu.memory_space<vmem>>, vector<16xi32>,
      tpu.vector_store %arg31[%swap3A], %gather3A {strides = array<i32>} : memref<512xi32, #tpu.memory_space<vmem>>, vector<16xi32>,
      %scan3A_199 = arith.constant 0 : i32
      scf.yield %scan3A_199 : i32
    }
    %scan3A_89 = arith.constant 32 : i32
    %dma_start3A_90 = arith.constant 0 : i32
    %dma_start3A_91 = tpu.memref_slice %arg12[%dma_start3A_90] : memref<100000xf32, #tpu.memory_space<hbm>> -> memref<100000xf32, #tpu.memory_space<hbm>>
    tpu.enqueue_indirect_dma source(%dma_start3A_91 : memref<100000xf32, #tpu.memory_space<hbm>>) target(%arg47 : memref<512xf32, #tpu.memory_space<vmem>>) offsets(%arg31 : memref<512xi32, #tpu.memory_space<vmem>>) semaphore(%arg54 : memref<!tpu.dma_semaphore, #tpu.memory_space<semaphore_mem>>)
    %scan3A_92 = arith.constant 0 : i32
    %scan3A_93 = arith.constant 0 : i32
    %scan3A_94 = arith.constant 32 : i32
    %scan3A_95 = arith.addi %scan3A_93, %scan3A_94 : i32
    %scan3A_96 = arith.constant 1 : i32
    %scan3A_97 = scf.for %scan3A_186 = %scan3A_93 to %scan3A_95 step %scan3A_96 iter_args(%scan3A_187 = %scan3A_92) -> (i32)  : i32 {
      %mul3A_188 = arith.constant 16 : i32
      %mul3A_189 = arith.muli %scan3A_186, %mul3A_188 : i32
      %mul3A_190 = arith.constant 26 : i32
      %mul3A_191 = arith.muli %mul3A_189, %mul3A_190 : i32
      %add3A_192 = arith.constant 10 : i32
      %add3A_193 = arith.addi %mul3A_191, %add3A_192 : i32
      %add3A_194 = vector.broadcast %add3A_193 : i32 to vector<16xi32>
      %add3A_195 = arith.addi %mul3A_3, %add3A_194 : vector<16xi32>
      %gather3A = tpu.vector_load_idx %arg20[%add3A_195] : memref<13312xi32, #tpu.memory_space<vmem>>[vector<16xi32>], vector<16xi32>,
      %mul3A_196 = arith.constant 16 : i32
      %mul3A_197 = arith.muli %scan3A_186, %mul3A_196 : i32
      %swap3A = arith.index_cast %mul3A_197 : i32 to index
      %swap3A_198 = tpu.vector_load %arg32[%swap3A] {strides = array<i32>} : memref<512xi32, #tpu.memory_space<vmem>>, vector<16xi32>,
      tpu.vector_store %arg32[%swap3A], %gather3A {strides = array<i32>} : memref<512xi32, #tpu.memory_space<vmem>>, vector<16xi32>,
      %scan3A_199 = arith.constant 0 : i32
      scf.yield %scan3A_199 : i32
    }
    %scan3A_98 = arith.constant 32 : i32
    %dma_start3A_99 = arith.constant 0 : i32
    %dma_start3A_100 = tpu.memref_slice %arg13[%dma_start3A_99] : memref<100000xf32, #tpu.memory_space<hbm>> -> memref<100000xf32, #tpu.memory_space<hbm>>
    tpu.enqueue_indirect_dma source(%dma_start3A_100 : memref<100000xf32, #tpu.memory_space<hbm>>) target(%arg48 : memref<512xf32, #tpu.memory_space<vmem>>) offsets(%arg32 : memref<512xi32, #tpu.memory_space<vmem>>) semaphore(%arg54 : memref<!tpu.dma_semaphore, #tpu.memory_space<semaphore_mem>>)
    %scan3A_101 = arith.constant 0 : i32
    %scan3A_102 = arith.constant 0 : i32
    %scan3A_103 = arith.constant 32 : i32
    %scan3A_104 = arith.addi %scan3A_102, %scan3A_103 : i32
    %scan3A_105 = arith.constant 1 : i32
    %scan3A_106 = scf.for %scan3A_186 = %scan3A_102 to %scan3A_104 step %scan3A_105 iter_args(%scan3A_187 = %scan3A_101) -> (i32)  : i32 {
      %mul3A_188 = arith.constant 16 : i32
      %mul3A_189 = arith.muli %scan3A_186, %mul3A_188 : i32
      %mul3A_190 = arith.constant 26 : i32
      %mul3A_191 = arith.muli %mul3A_189, %mul3A_190 : i32
      %add3A_192 = arith.constant 11 : i32
      %add3A_193 = arith.addi %mul3A_191, %add3A_192 : i32
      %add3A_194 = vector.broadcast %add3A_193 : i32 to vector<16xi32>
      %add3A_195 = arith.addi %mul3A_3, %add3A_194 : vector<16xi32>
      %gather3A = tpu.vector_load_idx %arg20[%add3A_195] : memref<13312xi32, #tpu.memory_space<vmem>>[vector<16xi32>], vector<16xi32>,
      %mul3A_196 = arith.constant 16 : i32
      %mul3A_197 = arith.muli %scan3A_186, %mul3A_196 : i32
      %swap3A = arith.index_cast %mul3A_197 : i32 to index
      %swap3A_198 = tpu.vector_load %arg33[%swap3A] {strides = array<i32>} : memref<512xi32, #tpu.memory_space<vmem>>, vector<16xi32>,
      tpu.vector_store %arg33[%swap3A], %gather3A {strides = array<i32>} : memref<512xi32, #tpu.memory_space<vmem>>, vector<16xi32>,
      %scan3A_199 = arith.constant 0 : i32
      scf.yield %scan3A_199 : i32
    }
    %scan3A_107 = arith.constant 32 : i32
    %dma_start3A_108 = arith.constant 0 : i32
    %dma_start3A_109 = tpu.memref_slice %arg14[%dma_start3A_108] : memref<100000xf32, #tpu.memory_space<hbm>> -> memref<100000xf32, #tpu.memory_space<hbm>>
    tpu.enqueue_indirect_dma source(%dma_start3A_109 : memref<100000xf32, #tpu.memory_space<hbm>>) target(%arg49 : memref<512xf32, #tpu.memory_space<vmem>>) offsets(%arg33 : memref<512xi32, #tpu.memory_space<vmem>>) semaphore(%arg54 : memref<!tpu.dma_semaphore, #tpu.memory_space<semaphore_mem>>)
    %scan3A_110 = arith.constant 0 : i32
    %scan3A_111 = arith.constant 0 : i32
    %scan3A_112 = arith.constant 32 : i32
    %scan3A_113 = arith.addi %scan3A_111, %scan3A_112 : i32
    %scan3A_114 = arith.constant 1 : i32
    %scan3A_115 = scf.for %scan3A_186 = %scan3A_111 to %scan3A_113 step %scan3A_114 iter_args(%scan3A_187 = %scan3A_110) -> (i32)  : i32 {
      %mul3A_188 = arith.constant 16 : i32
      %mul3A_189 = arith.muli %scan3A_186, %mul3A_188 : i32
      %mul3A_190 = arith.constant 26 : i32
      %mul3A_191 = arith.muli %mul3A_189, %mul3A_190 : i32
      %add3A_192 = arith.constant 12 : i32
      %add3A_193 = arith.addi %mul3A_191, %add3A_192 : i32
      %add3A_194 = vector.broadcast %add3A_193 : i32 to vector<16xi32>
      %add3A_195 = arith.addi %mul3A_3, %add3A_194 : vector<16xi32>
      %gather3A = tpu.vector_load_idx %arg20[%add3A_195] : memref<13312xi32, #tpu.memory_space<vmem>>[vector<16xi32>], vector<16xi32>,
      %mul3A_196 = arith.constant 16 : i32
      %mul3A_197 = arith.muli %scan3A_186, %mul3A_196 : i32
      %swap3A = arith.index_cast %mul3A_197 : i32 to index
      %swap3A_198 = tpu.vector_load %arg34[%swap3A] {strides = array<i32>} : memref<512xi32, #tpu.memory_space<vmem>>, vector<16xi32>,
      tpu.vector_store %arg34[%swap3A], %gather3A {strides = array<i32>} : memref<512xi32, #tpu.memory_space<vmem>>, vector<16xi32>,
      %scan3A_199 = arith.constant 0 : i32
      scf.yield %scan3A_199 : i32
    }
    %scan3A_116 = arith.constant 32 : i32
    %dma_start3A_117 = arith.constant 0 : i32
    %dma_start3A_118 = tpu.memref_slice %arg15[%dma_start3A_117] : memref<100000xf32, #tpu.memory_space<hbm>> -> memref<100000xf32, #tpu.memory_space<hbm>>
    tpu.enqueue_indirect_dma source(%dma_start3A_118 : memref<100000xf32, #tpu.memory_space<hbm>>) target(%arg50 : memref<512xf32, #tpu.memory_space<vmem>>) offsets(%arg34 : memref<512xi32, #tpu.memory_space<vmem>>) semaphore(%arg54 : memref<!tpu.dma_semaphore, #tpu.memory_space<semaphore_mem>>)
    %scan3A_119 = arith.constant 0 : i32
    %scan3A_120 = arith.constant 0 : i32
    %scan3A_121 = arith.constant 32 : i32
    %scan3A_122 = arith.addi %scan3A_120, %scan3A_121 : i32
    %scan3A_123 = arith.constant 1 : i32
    %scan3A_124 = scf.for %scan3A_186 = %scan3A_120 to %scan3A_122 step %scan3A_123 iter_args(%scan3A_187 = %scan3A_119) -> (i32)  : i32 {
      %mul3A_188 = arith.constant 16 : i32
      %mul3A_189 = arith.muli %scan3A_186, %mul3A_188 : i32
      %mul3A_190 = arith.constant 26 : i32
      %mul3A_191 = arith.muli %mul3A_189, %mul3A_190 : i32
      %add3A_192 = arith.constant 13 : i32
      %add3A_193 = arith.addi %mul3A_191, %add3A_192 : i32
      %add3A_194 = vector.broadcast %add3A_193 : i32 to vector<16xi32>
      %add3A_195 = arith.addi %mul3A_3, %add3A_194 : vector<16xi32>
      %gather3A = tpu.vector_load_idx %arg20[%add3A_195] : memref<13312xi32, #tpu.memory_space<vmem>>[vector<16xi32>], vector<16xi32>,
      %mul3A_196 = arith.constant 16 : i32
      %mul3A_197 = arith.muli %scan3A_186, %mul3A_196 : i32
      %swap3A = arith.index_cast %mul3A_197 : i32 to index
      %swap3A_198 = tpu.vector_load %arg35[%swap3A] {strides = array<i32>} : memref<512xi32, #tpu.memory_space<vmem>>, vector<16xi32>,
      tpu.vector_store %arg35[%swap3A], %gather3A {strides = array<i32>} : memref<512xi32, #tpu.memory_space<vmem>>, vector<16xi32>,
      %scan3A_199 = arith.constant 0 : i32
      scf.yield %scan3A_199 : i32
    }
    %scan3A_125 = arith.constant 32 : i32
    %dma_start3A_126 = arith.constant 0 : i32
    %dma_start3A_127 = tpu.memref_slice %arg16[%dma_start3A_126] : memref<100000xf32, #tpu.memory_space<hbm>> -> memref<100000xf32, #tpu.memory_space<hbm>>
    tpu.enqueue_indirect_dma source(%dma_start3A_127 : memref<100000xf32, #tpu.memory_space<hbm>>) target(%arg51 : memref<512xf32, #tpu.memory_space<vmem>>) offsets(%arg35 : memref<512xi32, #tpu.memory_space<vmem>>) semaphore(%arg54 : memref<!tpu.dma_semaphore, #tpu.memory_space<semaphore_mem>>)
    %scan3A_128 = arith.constant 0 : i32
    %scan3A_129 = arith.constant 0 : i32
    %scan3A_130 = arith.constant 32 : i32
    %scan3A_131 = arith.addi %scan3A_129, %scan3A_130 : i32
    %scan3A_132 = arith.constant 1 : i32
    %scan3A_133 = scf.for %scan3A_186 = %scan3A_129 to %scan3A_131 step %scan3A_132 iter_args(%scan3A_187 = %scan3A_128) -> (i32)  : i32 {
      %mul3A_188 = arith.constant 16 : i32
      %mul3A_189 = arith.muli %scan3A_186, %mul3A_188 : i32
      %mul3A_190 = arith.constant 26 : i32
      %mul3A_191 = arith.muli %mul3A_189, %mul3A_190 : i32
      %add3A_192 = arith.constant 14 : i32
      %add3A_193 = arith.addi %mul3A_191, %add3A_192 : i32
      %add3A_194 = vector.broadcast %add3A_193 : i32 to vector<16xi32>
      %add3A_195 = arith.addi %mul3A_3, %add3A_194 : vector<16xi32>
      %gather3A = tpu.vector_load_idx %arg20[%add3A_195] : memref<13312xi32, #tpu.memory_space<vmem>>[vector<16xi32>], vector<16xi32>,
      %mul3A_196 = arith.constant 16 : i32
      %mul3A_197 = arith.muli %scan3A_186, %mul3A_196 : i32
      %swap3A = arith.index_cast %mul3A_197 : i32 to index
      %swap3A_198 = tpu.vector_load %arg36[%swap3A] {strides = array<i32>} : memref<512xi32, #tpu.memory_space<vmem>>, vector<16xi32>,
      tpu.vector_store %arg36[%swap3A], %gather3A {strides = array<i32>} : memref<512xi32, #tpu.memory_space<vmem>>, vector<16xi32>,
      %scan3A_199 = arith.constant 0 : i32
      scf.yield %scan3A_199 : i32
    }
    %scan3A_134 = arith.constant 32 : i32
    %dma_start3A_135 = arith.constant 0 : i32
    %dma_start3A_136 = tpu.memref_slice %arg17[%dma_start3A_135] : memref<100000xf32, #tpu.memory_space<hbm>> -> memref<100000xf32, #tpu.memory_space<hbm>>
    tpu.enqueue_indirect_dma source(%dma_start3A_136 : memref<100000xf32, #tpu.memory_space<hbm>>) target(%arg52 : memref<512xf32, #tpu.memory_space<vmem>>) offsets(%arg36 : memref<512xi32, #tpu.memory_space<vmem>>) semaphore(%arg54 : memref<!tpu.dma_semaphore, #tpu.memory_space<semaphore_mem>>)
    %scan3A_137 = arith.constant 0 : i32
    %scan3A_138 = arith.constant 0 : i32
    %scan3A_139 = arith.constant 32 : i32
    %scan3A_140 = arith.addi %scan3A_138, %scan3A_139 : i32
    %scan3A_141 = arith.constant 1 : i32
    %scan3A_142 = scf.for %scan3A_186 = %scan3A_138 to %scan3A_140 step %scan3A_141 iter_args(%scan3A_187 = %scan3A_137) -> (i32)  : i32 {
      %mul3A_188 = arith.constant 16 : i32
      %mul3A_189 = arith.muli %scan3A_186, %mul3A_188 : i32
      %mul3A_190 = arith.constant 26 : i32
      %mul3A_191 = arith.muli %mul3A_189, %mul3A_190 : i32
      %add3A_192 = arith.constant 15 : i32
      %add3A_193 = arith.addi %mul3A_191, %add3A_192 : i32
      %add3A_194 = vector.broadcast %add3A_193 : i32 to vector<16xi32>
      %add3A_195 = arith.addi %mul3A_3, %add3A_194 : vector<16xi32>
      %gather3A = tpu.vector_load_idx %arg20[%add3A_195] : memref<13312xi32, #tpu.memory_space<vmem>>[vector<16xi32>], vector<16xi32>,
      %mul3A_196 = arith.constant 16 : i32
      %mul3A_197 = arith.muli %scan3A_186, %mul3A_196 : i32
      %swap3A = arith.index_cast %mul3A_197 : i32 to index
      %swap3A_198 = tpu.vector_load %arg37[%swap3A] {strides = array<i32>} : memref<512xi32, #tpu.memory_space<vmem>>, vector<16xi32>,
      tpu.vector_store %arg37[%swap3A], %gather3A {strides = array<i32>} : memref<512xi32, #tpu.memory_space<vmem>>, vector<16xi32>,
      %scan3A_199 = arith.constant 0 : i32
      scf.yield %scan3A_199 : i32
    }
    %scan3A_143 = arith.constant 32 : i32
    %dma_start3A_144 = arith.constant 0 : i32
    %dma_start3A_145 = tpu.memref_slice %arg18[%dma_start3A_144] : memref<100000xf32, #tpu.memory_space<hbm>> -> memref<100000xf32, #tpu.memory_space<hbm>>
    tpu.enqueue_indirect_dma source(%dma_start3A_145 : memref<100000xf32, #tpu.memory_space<hbm>>) target(%arg53 : memref<512xf32, #tpu.memory_space<vmem>>) offsets(%arg37 : memref<512xi32, #tpu.memory_space<vmem>>) semaphore(%arg54 : memref<!tpu.dma_semaphore, #tpu.memory_space<semaphore_mem>>)
    %dma_wait3A = arith.constant 0 : i32
    %dma_wait3A_146 = tpu.memref_slice %arg3[%dma_wait3A] : memref<100000xf32, #tpu.memory_space<hbm>> -> memref<100000xf32, #tpu.memory_space<hbm>>
    tpu.wait_indirect_dma semaphore(%arg54 : memref<!tpu.dma_semaphore, #tpu.memory_space<semaphore_mem>>) src(%dma_wait3A_146 : memref<100000xf32, #tpu.memory_space<hbm>>) dst(%arg38 : memref<512xf32, #tpu.memory_space<vmem>>)
    %dma_wait3A_147 = arith.constant 0 : i32
    %dma_wait3A_148 = tpu.memref_slice %arg4[%dma_wait3A_147] : memref<100000xf32, #tpu.memory_space<hbm>> -> memref<100000xf32, #tpu.memory_space<hbm>>
    tpu.wait_indirect_dma semaphore(%arg54 : memref<!tpu.dma_semaphore, #tpu.memory_space<semaphore_mem>>) src(%dma_wait3A_148 : memref<100000xf32, #tpu.memory_space<hbm>>) dst(%arg39 : memref<512xf32, #tpu.memory_space<vmem>>)
    %dma_wait3A_149 = arith.constant 0 : i32
    %dma_wait3A_150 = tpu.memref_slice %arg5[%dma_wait3A_149] : memref<100000xf32, #tpu.memory_space<hbm>> -> memref<100000xf32, #tpu.memory_space<hbm>>
    tpu.wait_indirect_dma semaphore(%arg54 : memref<!tpu.dma_semaphore, #tpu.memory_space<semaphore_mem>>) src(%dma_wait3A_150 : memref<100000xf32, #tpu.memory_space<hbm>>) dst(%arg40 : memref<512xf32, #tpu.memory_space<vmem>>)
    %dma_wait3A_151 = arith.constant 0 : i32
    %dma_wait3A_152 = tpu.memref_slice %arg6[%dma_wait3A_151] : memref<100000xf32, #tpu.memory_space<hbm>> -> memref<100000xf32, #tpu.memory_space<hbm>>
    tpu.wait_indirect_dma semaphore(%arg54 : memref<!tpu.dma_semaphore, #tpu.memory_space<semaphore_mem>>) src(%dma_wait3A_152 : memref<100000xf32, #tpu.memory_space<hbm>>) dst(%arg41 : memref<512xf32, #tpu.memory_space<vmem>>)
    %dma_wait3A_153 = arith.constant 0 : i32
    %dma_wait3A_154 = tpu.memref_slice %arg7[%dma_wait3A_153] : memref<100000xf32, #tpu.memory_space<hbm>> -> memref<100000xf32, #tpu.memory_space<hbm>>
    tpu.wait_indirect_dma semaphore(%arg54 : memref<!tpu.dma_semaphore, #tpu.memory_space<semaphore_mem>>) src(%dma_wait3A_154 : memref<100000xf32, #tpu.memory_space<hbm>>) dst(%arg42 : memref<512xf32, #tpu.memory_space<vmem>>)
    %dma_wait3A_155 = arith.constant 0 : i32
    %dma_wait3A_156 = tpu.memref_slice %arg8[%dma_wait3A_155] : memref<100000xf32, #tpu.memory_space<hbm>> -> memref<100000xf32, #tpu.memory_space<hbm>>
    tpu.wait_indirect_dma semaphore(%arg54 : memref<!tpu.dma_semaphore, #tpu.memory_space<semaphore_mem>>) src(%dma_wait3A_156 : memref<100000xf32, #tpu.memory_space<hbm>>) dst(%arg43 : memref<512xf32, #tpu.memory_space<vmem>>)
    %dma_wait3A_157 = arith.constant 0 : i32
    %dma_wait3A_158 = tpu.memref_slice %arg9[%dma_wait3A_157] : memref<100000xf32, #tpu.memory_space<hbm>> -> memref<100000xf32, #tpu.memory_space<hbm>>
    tpu.wait_indirect_dma semaphore(%arg54 : memref<!tpu.dma_semaphore, #tpu.memory_space<semaphore_mem>>) src(%dma_wait3A_158 : memref<100000xf32, #tpu.memory_space<hbm>>) dst(%arg44 : memref<512xf32, #tpu.memory_space<vmem>>)
    %dma_wait3A_159 = arith.constant 0 : i32
    %dma_wait3A_160 = tpu.memref_slice %arg10[%dma_wait3A_159] : memref<100000xf32, #tpu.memory_space<hbm>> -> memref<100000xf32, #tpu.memory_space<hbm>>
    tpu.wait_indirect_dma semaphore(%arg54 : memref<!tpu.dma_semaphore, #tpu.memory_space<semaphore_mem>>) src(%dma_wait3A_160 : memref<100000xf32, #tpu.memory_space<hbm>>) dst(%arg45 : memref<512xf32, #tpu.memory_space<vmem>>)
    %dma_wait3A_161 = arith.constant 0 : i32
    %dma_wait3A_162 = tpu.memref_slice %arg11[%dma_wait3A_161] : memref<100000xf32, #tpu.memory_space<hbm>> -> memref<100000xf32, #tpu.memory_space<hbm>>
    tpu.wait_indirect_dma semaphore(%arg54 : memref<!tpu.dma_semaphore, #tpu.memory_space<semaphore_mem>>) src(%dma_wait3A_162 : memref<100000xf32, #tpu.memory_space<hbm>>) dst(%arg46 : memref<512xf32, #tpu.memory_space<vmem>>)
    %dma_wait3A_163 = arith.constant 0 : i32
    %dma_wait3A_164 = tpu.memref_slice %arg12[%dma_wait3A_163] : memref<100000xf32, #tpu.memory_space<hbm>> -> memref<100000xf32, #tpu.memory_space<hbm>>
    tpu.wait_indirect_dma semaphore(%arg54 : memref<!tpu.dma_semaphore, #tpu.memory_space<semaphore_mem>>) src(%dma_wait3A_164 : memref<100000xf32, #tpu.memory_space<hbm>>) dst(%arg47 : memref<512xf32, #tpu.memory_space<vmem>>)
    %dma_wait3A_165 = arith.constant 0 : i32
    %dma_wait3A_166 = tpu.memref_slice %arg13[%dma_wait3A_165] : memref<100000xf32, #tpu.memory_space<hbm>> -> memref<100000xf32, #tpu.memory_space<hbm>>
    tpu.wait_indirect_dma semaphore(%arg54 : memref<!tpu.dma_semaphore, #tpu.memory_space<semaphore_mem>>) src(%dma_wait3A_166 : memref<100000xf32, #tpu.memory_space<hbm>>) dst(%arg48 : memref<512xf32, #tpu.memory_space<vmem>>)
    %dma_wait3A_167 = arith.constant 0 : i32
    %dma_wait3A_168 = tpu.memref_slice %arg14[%dma_wait3A_167] : memref<100000xf32, #tpu.memory_space<hbm>> -> memref<100000xf32, #tpu.memory_space<hbm>>
    tpu.wait_indirect_dma semaphore(%arg54 : memref<!tpu.dma_semaphore, #tpu.memory_space<semaphore_mem>>) src(%dma_wait3A_168 : memref<100000xf32, #tpu.memory_space<hbm>>) dst(%arg49 : memref<512xf32, #tpu.memory_space<vmem>>)
    %dma_wait3A_169 = arith.constant 0 : i32
    %dma_wait3A_170 = tpu.memref_slice %arg15[%dma_wait3A_169] : memref<100000xf32, #tpu.memory_space<hbm>> -> memref<100000xf32, #tpu.memory_space<hbm>>
    tpu.wait_indirect_dma semaphore(%arg54 : memref<!tpu.dma_semaphore, #tpu.memory_space<semaphore_mem>>) src(%dma_wait3A_170 : memref<100000xf32, #tpu.memory_space<hbm>>) dst(%arg50 : memref<512xf32, #tpu.memory_space<vmem>>)
    %dma_wait3A_171 = arith.constant 0 : i32
    %dma_wait3A_172 = tpu.memref_slice %arg16[%dma_wait3A_171] : memref<100000xf32, #tpu.memory_space<hbm>> -> memref<100000xf32, #tpu.memory_space<hbm>>
    tpu.wait_indirect_dma semaphore(%arg54 : memref<!tpu.dma_semaphore, #tpu.memory_space<semaphore_mem>>) src(%dma_wait3A_172 : memref<100000xf32, #tpu.memory_space<hbm>>) dst(%arg51 : memref<512xf32, #tpu.memory_space<vmem>>)
    %dma_wait3A_173 = arith.constant 0 : i32
    %dma_wait3A_174 = tpu.memref_slice %arg17[%dma_wait3A_173] : memref<100000xf32, #tpu.memory_space<hbm>> -> memref<100000xf32, #tpu.memory_space<hbm>>
    tpu.wait_indirect_dma semaphore(%arg54 : memref<!tpu.dma_semaphore, #tpu.memory_space<semaphore_mem>>) src(%dma_wait3A_174 : memref<100000xf32, #tpu.memory_space<hbm>>) dst(%arg52 : memref<512xf32, #tpu.memory_space<vmem>>)
    %dma_wait3A_175 = arith.constant 0 : i32
    %dma_wait3A_176 = tpu.memref_slice %arg18[%dma_wait3A_175] : memref<100000xf32, #tpu.memory_space<hbm>> -> memref<100000xf32, #tpu.memory_space<hbm>>
    tpu.wait_indirect_dma semaphore(%arg54 : memref<!tpu.dma_semaphore, #tpu.memory_space<semaphore_mem>>) src(%dma_wait3A_176 : memref<100000xf32, #tpu.memory_space<hbm>>) dst(%arg53 : memref<512xf32, #tpu.memory_space<vmem>>)
    %scan3A_177 = arith.constant 0 : i32
    %scan3A_178 = arith.constant 0 : i32
    %scan3A_179 = arith.constant 32 : i32
    %scan3A_180 = arith.addi %scan3A_178, %scan3A_179 : i32
    %scan3A_181 = arith.constant 1 : i32
    %scan3A_182 = scf.for %scan3A_186 = %scan3A_178 to %scan3A_180 step %scan3A_181 iter_args(%scan3A_187 = %scan3A_177) -> (i32)  : i32 {
      %mul3A_188 = arith.constant 16 : i32
      %mul3A_189 = arith.muli %scan3A_186, %mul3A_188 : i32
      %get3A = arith.index_cast %mul3A_189 : i32 to index
      %get3A_190 = tpu.vector_load %arg38[%get3A] {strides = array<i32>} : memref<512xf32, #tpu.memory_space<vmem>>, vector<16xf32>,
      %get3A_191 = arith.index_cast %mul3A_189 : i32 to index
      %get3A_192 = tpu.vector_load %arg39[%get3A_191] {strides = array<i32>} : memref<512xf32, #tpu.memory_space<vmem>>, vector<16xf32>,
      %add3A_193 = arith.addf %get3A_190, %get3A_192 : vector<16xf32>
      %get3A_194 = arith.index_cast %mul3A_189 : i32 to index
      %get3A_195 = tpu.vector_load %arg40[%get3A_194] {strides = array<i32>} : memref<512xf32, #tpu.memory_space<vmem>>, vector<16xf32>,
      %add3A_196 = arith.addf %add3A_193, %get3A_195 : vector<16xf32>
      %get3A_197 = arith.index_cast %mul3A_189 : i32 to index
      %get3A_198 = tpu.vector_load %arg41[%get3A_197] {strides = array<i32>} : memref<512xf32, #tpu.memory_space<vmem>>, vector<16xf32>,
      %add3A_199 = arith.addf %add3A_196, %get3A_198 : vector<16xf32>
      %get3A_200 = arith.index_cast %mul3A_189 : i32 to index
      %get3A_201 = tpu.vector_load %arg42[%get3A_200] {strides = array<i32>} : memref<512xf32, #tpu.memory_space<vmem>>, vector<16xf32>,
      %add3A_202 = arith.addf %add3A_199, %get3A_201 : vector<16xf32>
      %get3A_203 = arith.index_cast %mul3A_189 : i32 to index
      %get3A_204 = tpu.vector_load %arg43[%get3A_203] {strides = array<i32>} : memref<512xf32, #tpu.memory_space<vmem>>, vector<16xf32>,
      %add3A_205 = arith.addf %add3A_202, %get3A_204 : vector<16xf32>
      %get3A_206 = arith.index_cast %mul3A_189 : i32 to index
      %get3A_207 = tpu.vector_load %arg44[%get3A_206] {strides = array<i32>} : memref<512xf32, #tpu.memory_space<vmem>>, vector<16xf32>,
      %add3A_208 = arith.addf %add3A_205, %get3A_207 : vector<16xf32>
      %get3A_209 = arith.index_cast %mul3A_189 : i32 to index
      %get3A_210 = tpu.vector_load %arg45[%get3A_209] {strides = array<i32>} : memref<512xf32, #tpu.memory_space<vmem>>, vector<16xf32>,
      %add3A_211 = arith.addf %add3A_208, %get3A_210 : vector<16xf32>
      %get3A_212 = arith.index_cast %mul3A_189 : i32 to index
      %get3A_213 = tpu.vector_load %arg46[%get3A_212] {strides = array<i32>} : memref<512xf32, #tpu.memory_space<vmem>>, vector<16xf32>,
      %add3A_214 = arith.addf %add3A_211, %get3A_213 : vector<16xf32>
      %get3A_215 = arith.index_cast %mul3A_189 : i32 to index
      %get3A_216 = tpu.vector_load %arg47[%get3A_215] {strides = array<i32>} : memref<512xf32, #tpu.memory_space<vmem>>, vector<16xf32>,
      %add3A_217 = arith.addf %add3A_214, %get3A_216 : vector<16xf32>
      %get3A_218 = arith.index_cast %mul3A_189 : i32 to index
      %get3A_219 = tpu.vector_load %arg48[%get3A_218] {strides = array<i32>} : memref<512xf32, #tpu.memory_space<vmem>>, vector<16xf32>,
      %add3A_220 = arith.addf %add3A_217, %get3A_219 : vector<16xf32>
      %get3A_221 = arith.index_cast %mul3A_189 : i32 to index
      %get3A_222 = tpu.vector_load %arg49[%get3A_221] {strides = array<i32>} : memref<512xf32, #tpu.memory_space<vmem>>, vector<16xf32>,
      %add3A_223 = arith.addf %add3A_220, %get3A_222 : vector<16xf32>
      %get3A_224 = arith.index_cast %mul3A_189 : i32 to index
      %get3A_225 = tpu.vector_load %arg50[%get3A_224] {strides = array<i32>} : memref<512xf32, #tpu.memory_space<vmem>>, vector<16xf32>,
      %add3A_226 = arith.addf %add3A_223, %get3A_225 : vector<16xf32>
      %get3A_227 = arith.index_cast %mul3A_189 : i32 to index
      %get3A_228 = tpu.vector_load %arg51[%get3A_227] {strides = array<i32>} : memref<512xf32, #tpu.memory_space<vmem>>, vector<16xf32>,
      %add3A_229 = arith.addf %add3A_226, %get3A_228 : vector<16xf32>
      %get3A_230 = arith.index_cast %mul3A_189 : i32 to index
      %get3A_231 = tpu.vector_load %arg52[%get3A_230] {strides = array<i32>} : memref<512xf32, #tpu.memory_space<vmem>>, vector<16xf32>,
      %add3A_232 = arith.addf %add3A_229, %get3A_231 : vector<16xf32>
      %get3A_233 = arith.index_cast %mul3A_189 : i32 to index
      %get3A_234 = tpu.vector_load %arg53[%get3A_233] {strides = array<i32>} : memref<512xf32, #tpu.memory_space<vmem>>, vector<16xf32>,
      %add3A_235 = arith.addf %add3A_232, %get3A_234 : vector<16xf32>
      %swap3A = arith.index_cast %mul3A_189 : i32 to index
      %swap3A_236 = tpu.vector_load %arg21[%swap3A] {strides = array<i32>} : memref<512xf32, #tpu.memory_space<vmem>>, vector<16xf32>,
      tpu.vector_store %arg21[%swap3A], %add3A_235 {strides = array<i32>} : memref<512xf32, #tpu.memory_space<vmem>>, vector<16xf32>,
      %scan3A_237 = arith.constant 0 : i32
      scf.yield %scan3A_237 : i32
    }
    %scan3A_183 = arith.constant 32 : i32
    %mul3A_184 = arith.constant 512 : i32
    %mul3A_185 = arith.muli %add3A, %mul3A_184 : i32
    "tpu.region"() ({
      %run_scoped3A = tpu.sem_alloc : memref<!tpu.dma_semaphore, #tpu.memory_space<semaphore_mem>>
      %dma_start3A_186 = tpu.memref_slice %arg19[%mul3A_185] : memref<16384xf32, #tpu.memory_space<hbm>> -> memref<512xf32, #tpu.memory_space<hbm>>
      %dma_start3A_187 = tpu.memref_slice %arg19[%mul3A_185] : memref<16384xf32, #tpu.memory_space<hbm>> -> memref<512xf32, #tpu.memory_space<hbm>>
      tpu.enqueue_dma source(%arg21 : memref<512xf32, #tpu.memory_space<vmem>>) target(%dma_start3A_187 : memref<512xf32, #tpu.memory_space<hbm>>) target_semaphore(%run_scoped3A : memref<!tpu.dma_semaphore, #tpu.memory_space<semaphore_mem>>)
      %dma_wait3A_188 = tpu.memref_slice %arg19[%mul3A_185] : memref<16384xf32, #tpu.memory_space<hbm>> -> memref<512xf32, #tpu.memory_space<hbm>>
      %dma_wait3A_189 = tpu.memref_slice %arg19[%mul3A_185] : memref<16384xf32, #tpu.memory_space<hbm>> -> memref<512xf32, #tpu.memory_space<hbm>>
      tpu.wait_dma2 semaphore(%run_scoped3A : memref<!tpu.dma_semaphore, #tpu.memory_space<semaphore_mem>>) src(%arg21 : memref<512xf32, #tpu.memory_space<vmem>>) dst(%dma_wait3A_189 : memref<512xf32, #tpu.memory_space<hbm>>)
      tpu.yield
    }) : () -> ()
    return
  }
}

module attributes {stable_mosaic.version = 14 : i64} {
  func.func @_lin_body(%arg0: memref<16384x13xf32, #tpu.memory_space<vmem>>, %arg1: memref<1x13xf32, #tpu.memory_space<vmem>>, %arg2: memref<1xf32, #tpu.memory_space<vmem>>, %arg3: memref<1x16384xf32, #tpu.memory_space<vmem>>) attributes {dimension_semantics = [], scalar_prefetch = 0 : i64, scratch_operands = 0 : i64, tpu.core_type = #tpu.core_type<tc>} {
    %get3A = arith.constant 0 : index
    %get3A_0 = arith.constant 0 : index
    %get3A_1 = vector.load %arg1[%get3A, %get3A_0] : memref<1x13xf32, #tpu.memory_space<vmem>>, vector<1x13xf32>
    %get3A_2 = arith.constant 0 : index
    %get3A_3 = arith.constant 0 : index
    %get3A_4 = vector.load %arg0[%get3A_2, %get3A_3] : memref<16384x13xf32, #tpu.memory_space<vmem>>, vector<16384x13xf32>
    %dot_general3A = arith.constant dense<0.000000e+00> : vector<1x16384xf32>
    %dot_general3A_5 = tpu.matmul %get3A_1, %get3A_4, %dot_general3A {dimension_numbers = #tpu.dot_dimension_numbers<[1], [1], [0], [0], [0, 0, 1, 0], [], []>, transpose_lhs_hint = false} : vector<1x13xf32>, vector<16384x13xf32>, vector<1x16384xf32> -> vector<1x16384xf32>
    %get3A_6 = arith.constant 0 : index
    %get3A_7 = vector.load %arg2[%get3A_6] : memref<1xf32, #tpu.memory_space<vmem>>, vector<1xf32>
    %get3A_8 = vector.extract %get3A_7[0] : f32 from vector<1xf32>
    %add3A = vector.broadcast %get3A_8 : f32 to vector<1x16384xf32>
    %add3A_9 = arith.addf %dot_general3A_5, %add3A : vector<1x16384xf32>
    %swap3A = arith.constant 0 : index
    %swap3A_10 = arith.constant 0 : index
    %swap3A_11 = vector.load %arg3[%swap3A, %swap3A_10] : memref<1x16384xf32, #tpu.memory_space<vmem>>, vector<1x16384xf32>
    tpu.vector_store %arg3[%swap3A, %swap3A_10], %add3A_9 {strides = array<i32>} : memref<1x16384xf32, #tpu.memory_space<vmem>>, vector<1x16384xf32>,
    return
  }
}

</mosaic_0001>

<sc_bundles>
// kernel: kernel.5.cloned.1.call-start
scs
__scs_entry_jumppad:
0x0: {  	(pc) =	sbr.rel $0x88, $3  }
0x1: {  	(tag) =	ssettag $0x0;
	lr =	simm.s32 $0x1  }
0x2: {  	[smem:$0x3F9C] =	sst lr;
	_ =	strace $0xD0000000  }
0x3: {  	_ = 	snop  }
0x4: {  	_ = 	snop  }
0x5: {  	_ = 	snop  }
0x6: {  	_ = 	snop  }
0x7: {  	_ = 	snop  }
__scs_overlays_trampoline_lowered:
0x8: {  	[smem:$0x3FAB] =	sst s0  }
0x9: {  	[smem:$0x3FAC] =	sst s1  }
0xa: {  	[smem:$0x3FAD] =	sst s2  }
0xb: {  	[smem:$0x3FAE] =	sst s3  }
0xc: {  	[smem:$0x3FAF] =	sst s4  }
0xd: {  	[smem:$0x3FB0] =	sst s5  }
0xe: {  	[smem:$0x3FB1] =	sst s6  }
0xf: {  	[smem:$0x3FB2] =	sst s7  }
0x10: {  	[smem:$0x3FB3] =	sst s8  }
0x11: {  	[smem:$0x3FB4] =	sst s9;
	s0 =	simm.s32 @!p0 $0x0  }
0x12: {  	s1 =	sld [smem:$0x3F9A];
	s0 =	simm.s32 @p0 $0x1  }
0x13: {  	[smem:$0x3FB5] =	sst s0;
	s0 =	simm.s32 @!p1 $0x0  }
0x14: {  	s2 =	sld [smem:$0x3F99];
	s0 =	simm.s32 @p1 $0x1  }
0x15: {  	[smem:$0x3FB6] =	sst s0;
	s0 =	simm.s32 @!p2 $0x0  }
0x16: {  	s3 =	sld [smem:$0x3FDB];
	s0 =	simm.s32 @p2 $0x1  }
0x17: {  	s4 =	simm.s32 $0x1BF5;
	[smem:$0x3FB8] =	sst s0  }
0x18: {  	s0 =	sld [smem:$0x3F9B];
	_ =	swait.ge [sflag:s4], $0x0  }
0x19: {  	s7 =	sld [smem:$0x3F9C]  }
0x1a: {  	s8 =	sadd.s32 $0xFFFFE003, lr  }
0x1b: {  	s9 =	sadd.s32 $0xFFFFFEF7, lr;
	s5 =	simm.s32 $0xFFFFFFFF;
	p2 =	slt.u32 s8, $0xFFFFF086  }
0x1c: {  	p1 =	slt.u32 s9, $0xF7A;
	s5 =	simm.s32 @!p2 $0x0  }
0x1d: {  	s5 =	simm.s32 @p1 $0x1;
	p0 =	seq.s32 s7, s2  }
0x1e: {  	s7 =	smul.u32 @!p0 $0xF7A, s2;
	p2 =	seq.s32 @!p0 s5, $0x0  }
0x1f: {  	s9 =	smul.u32 $0xF7A, s1;
	s8 =	simm.s32 @!p0 $0x1BF5;
	p2 =	por !p2, p0  }
0x20: {  	[sflag:s8] =	ssyncset.s32 @!p0 $0xFFFFF086;
	s6 =	sadd.s32 @!p0 s3, s7;
	s7 =	simm.s32 @!p0 $0x108  }
0x21: {  	s3 =	sadd.s32 s3, s9;
	s6 =	sadd.s32 @!p0 $0x88, s6;
	s7 =	simm.s32 @p2 $0x1082  }
0x22: {  	[simem:s7], [sflag:s8] =	dma.local @!p0 [hbm:s6], $0xF7A  }
0x23: {  	s9 =	sor.u32 $0xD0000000, s2;
	s6 =	simm.s32 $0x108;
	_ =	swait.ge @!p0 [sflag:s8], $0x0  }
0x24: {  	s3 =	sadd.s32 $0x88, s3;
	s6 =	simm.s32 @!p1 $0x1082;
	[sflag:s4] =	ssyncset.s32 $0xFFFFF086  }
0x25: {  	[simem:s6], [sflag:s4] =	dma.local [hbm:s3], $0xF7A  }
0x26: {  	[smem:$0x3F9C] =	sst s1;
	(tag) =	ssettag s2;
	_ =	strace s9  }
0x27: {  	s1 =	sld [smem:$0x3FAC]  }
0x28: {  	s2 =	sld [smem:$0x3FAD]  }
0x29: {  	s4 =	sld [smem:$0x3FAF]  }
0x2a: {  	p0 =	seq.s32 s5, $0x0;
	s5 =	sld [smem:$0x3FB0]  }
0x2b: {  	s6 =	sld [smem:$0x3FB1]  }
0x2c: {  	s7 =	sld [smem:$0x3FB2]  }
0x2d: {  	s3 =	simm.s32 $0x108;
	s8 =	sld [smem:$0x3FB3]  }
0x2e: {  	s3 =	simm.s32 @!p0 $0x1082;
	s9 =	sld [smem:$0x3FB4]  }
0x2f: {  	lr =	sadd.s32 s0, s3;
	s0 =	sld [smem:$0x3FAB]  }
0x30: {  	s3 =	sld [smem:$0x3FAE]  }
0x31: {  	[smem:$0x3FB7] =	sst s10  }
0x32: {  	s10 =	sld [smem:$0x3FB5];
	_ =	sdelay $0x3  }
0x33: {  	p0 =	seq.s32 s10, $0x1;
	s10 =	sld [smem:$0x3FB7];
	_ =	sdelay $0x3  }
0x34: {  	[smem:$0x3FB7] =	sst s10  }
0x35: {  	s10 =	sld [smem:$0x3FB6];
	_ =	sdelay $0x3  }
0x36: {  	p1 =	seq.s32 s10, $0x1;
	s10 =	sld [smem:$0x3FB7];
	_ =	sdelay $0x3  }
0x37: {  	[smem:$0x3FB7] =	sst s10  }
0x38: {  	s10 =	sld [smem:$0x3FB8]  }
0x39: {  	_ = 	snop;
	(pc) =	sbr.ind lr, $3  }
0x3a: {  	_ = 	snop  }
0x3b: {  	_ = 	snop  }
0x3c: {  	p2 =	seq.s32 s10, $0x1;
	s10 =	sld [smem:$0x3FB7]  }
0x3d: {  	_ =	shalt  }
0x3e: {  	_ =	shalt  }
0x3f: {  	_ =	shalt  }
0x40: {  	_ =	shalt  }
0x41: {  	_ =	shalt  }
0x42: {  	_ =	shalt  }
0x43: {  	_ =	shalt  }
0x44: {  	_ =	shalt  }
0x45: {  	_ =	shalt  }
0x46: {  	_ =	shalt  }
0x47: {  	_ =	shalt  }
0x48: {  	_ =	shalt  }
0x49: {  	_ =	shalt  }
0x4a: {  	_ =	shalt  }
0x4b: {  	_ =	shalt  }
0x4c: {  	_ =	shalt  }
0x4d: {  	_ =	shalt  }
0x4e: {  	_ =	shalt  }
0x4f: {  	_ =	shalt  }
0x50: {  	_ =	shalt  }
0x51: {  	_ =	shalt  }
0x52: {  	_ =	shalt  }
0x53: {  	_ =	shalt  }
0x54: {  	_ =	shalt  }
0x55: {  	_ =	shalt  }
0x56: {  	_ =	shalt  }
0x57: {  	_ =	shalt  }
0x58: {  	_ =	shalt  }
0x59: {  	_ =	shalt  }
0x5a: {  	_ =	shalt  }
0x5b: {  	_ =	shalt  }
0x5c: {  	_ =	shalt  }
0x5d: {  	_ =	shalt  }
0x5e: {  	_ =	shalt  }
0x5f: {  	_ =	shalt  }
0x60: {  	_ =	shalt  }
0x61: {  	_ =	shalt  }
0x62: {  	_ =	shalt  }
0x63: {  	_ =	shalt  }
0x64: {  	_ =	shalt  }
0x65: {  	_ =	shalt  }
0x66: {  	_ =	shalt  }
0x67: {  	_ =	shalt  }
0x68: {  	_ =	shalt  }
0x69: {  	_ =	shalt  }
0x6a: {  	_ =	shalt  }
0x6b: {  	_ =	shalt  }
0x6c: {  	_ =	shalt  }
0x6d: {  	_ =	shalt  }
0x6e: {  	_ =	shalt  }
0x6f: {  	_ =	shalt  }
0x70: {  	_ =	shalt  }
0x71: {  	_ =	shalt  }
0x72: {  	_ =	shalt  }
0x73: {  	_ =	shalt  }
0x74: {  	_ =	shalt  }
0x75: {  	_ =	shalt  }
0x76: {  	_ =	shalt  }
0x77: {  	_ =	shalt  }
0x78: {  	_ =	shalt  }
0x79: {  	_ =	shalt  }
0x7a: {  	_ =	shalt  }
0x7b: {  	_ =	shalt  }
0x7c: {  	_ =	shalt  }
0x7d: {  	_ =	shalt  }
0x7e: {  	_ =	shalt  }
0x7f: {  	_ =	shalt  }
0x80: {  	_ =	shalt  }
0x81: {  	_ =	shalt  }
0x82: {  	_ =	shalt  }
0x83: {  	_ =	shalt  }
0x84: {  	_ =	shalt  }
0x85: {  	_ =	shalt  }
0x86: {  	_ =	shalt  }
0x87: {  	_ =	shalt  }
.Lfunc_end0:
.L_simem_size_0:
called_computation_lowered:
.L_overlay_start_0:
0x88: {  	s2 =	sld [smem:$0x3FD9]  }
0x89: {  	s3 =	sld [smem:$0x3FFE];
	_ =	sdelay $0x1  }
0x8a: {  	s1 =	srdreg.scid  }
0x8b: {  	s0 =	sand.u32 $0x1, s1  }
0x8c: {  	s16 =	sshll.u32 s0, $0xA;
	s2 =	sadd.s32 s3, s2  }
0x8d: {  	s2 =	sadd.s32 s2, s16  }
0x8e: {  	[smem:$0x3FC3] =	sst s2  }
0x8f: {  	_ = 	snop  }
0x90: {  	(tm) =	ssettm $0x1  }
0x91: {  	s17 =	sld [smem:$0x3FFB];
	_ =	sdelay $0x3  }
0x92: {  	_ =	strace s17  }
0x93: {  	s2 =	sld [smem:$0x3FFC];
	_ =	sdelay $0x3  }
0x94: {  	_ =	strace s2  }
0x95: {  	s2 =	sld [smem:$0x3FFD];
	_ =	sdelay $0x3  }
0x96: {  	_ =	strace s2  }
0x97: {  	_ =	strace $0x8FFFFFFF  }
0x98: {  	s18 =	sld [smem:$0x3FDB];
	_ =	sdelay $0x1  }
0x99: {  	s19 =	simm.s32 $_scs_section_size  }
0x9a: {  	s4 =	simm.s32 $_size__tile_overlayer_lowered;
	s5 =	simm.s32 $_tile_overlayer_lowered  }
0x9b: {  	s22 =	simm.s32 $0x1BFF;
	s21 =	sshll.u32 s5, $0x1;
	s2 =	sadd.s32 s19, s18  }
0x9c: {  	s6 =	simm.s32 $0x0;
	s20 =	sshll.u32 s4, $0x1;
	s4 =	sadd.s32 s21, s2  }
0x9d: {  	[timem:s6], [sflag:s22] =	dma.local [hbm:s4], s20  }
0x9e: {  	_ =	swait.ge [sflag:s22], s20  }
0x9f: {  	s3 =	ssub.s32 $0x0, s20;
	[sflag:s22] =	ssyncset.done $0x0  }
0xa0: {  	[sflag:s22] =	ssyncadd.s32 s3;
	_ =	sdelay $0x1  }
0xa1: {  	s23 =	simm.s32 $0x1B8B  }
0xa2: {  	_ =	swait.ge [sflag:s23], $0x1  }
0xa3: {  	[sflag:s23] =	ssyncset.done $0x0  }
0xa4: {  	s25 =	simm.s32 $0x1B8E;
	s24 =	sld [smem:$0x3FFE];
	[sflag:s23] =	ssyncadd.s32 $0xFFFFFFFF  }
0xa5: {  	s26 =	simm.s32 $execute0_lowered;
	[smem:$0x3FD2] =	sst s25  }
0xa6: {  	s4 =	sshll.u32 s26, $0x1;
	_ =	strace $0x80000046;
	[dreg:$0x1] =	wrdreg $0xFFFFFFFF  }
0xa7: {  	s28 =	simm.s32 $_size_execute0_lowered;
	s2 =	sadd.s32 s2, s4;
	[dreg:$0x0] =	wrdreg $0x0  }
0xa8: {  	s4 =	sshll.u32 s28, $0x1;
	[dreg:$0x2] =	wrdreg s2  }
0xa9: {  	[dreg:$0x3] =	wrdreg s4  }
0xaa: {  	[dreg:$0x4] =	wrdreg $0xC0  }
0xab: {  	_ =	task [dreg:s6], $0x5FFFF  }
0xac: {  	[dreg:$0x1] =	wrdreg $0xFFFFFFFF  }
0xad: {  	[dreg:$0x0] =	wrdreg $0x60  }
0xae: {  	[dreg:$0x2] =	wrdreg s24  }
0xaf: {  	[dreg:$0x3] =	wrdreg $0x9  }
0xb0: {  	_ =	task.clear_ibuf [dreg:s6], $0x4FFFF;
	_ =	strace $0x90000046  }
0xb1: {  	s29 =	simm.s32 $0x9;
	_ =	strace $0x80000048  }
0xb2: {  	_ =	swait.ge [sflag:s29], $0x1  }
0xb3: {  	[sflag:s29] =	ssyncadd.s32 $0xFFFFFFFF  }
0xb4: {  	_ =	strace $0x90000048  }
0xb5: {  	_ =	sfence  }
0xb6: {  	s30 =	sld [smem:$0x0];
	_ =	sdelay $0x2  }
0xb7: {  	s31 =	sshll.u32 s1, $0xD;
	s1 =	sshrl.u32 s1, $0x2  }
0xb8: {  	s3 =	sand.u32 $0x4000, s31;
	s1 =	sadd.s32 s1, s30  }
0xb9: {  	s0 =	sor.u32 s3, s0;
	s1 =	sshll.u32 s1, $0x11  }
0xba: {  	s0 =	sor.u32 s1, s0  }
0xbb: {  	s0 =	sadd.s32 $0x8F2B, s0  }
0xbc: {  	[sflag:s0] =	ssyncadd.remote.s32 $0x1  }
0xbd: {  	_ =	sfence.sel $0xFFFF  }
0xbe: {  	[dreg:$0x0] =	wrdreg $0xFFFFFFFF;
	(pc) =	sbr.abs _section_cstart, $3  }
0xbf: {  	[dreg:$0x1] =	wrdreg $0xFFFFFFFF  }
0xc0: {  	_ =	task.clear_ibuf [dreg:s6], $0x2FFFF;
	_ =	strace $0x9FFFFFFF  }
0xc1: {  	(tm) =	ssettm $0x7FFFFFFF  }
tec
execute0_lowered:
.L_overlay_start_1:
0x0: {  	(tag) =	ssettag $0x1  }
0x1: {  	s0 =	rddreg [dreg:$0x0]  }
0x2: {  	s1 =	simm.s32 $0x0;
	s11 =	srdreg.scid;
	s18 =	stileid.u32  }
0x3: {  	s24 =	simm.s32 $0x2;
	s25 =	simm.s32 $0x200;
	s26 =	simm.s32 $0x3600  }
0x4: {  	s23 =	simm.s32 $0x1;
	s28 =	simm.s32 $0x3400;
	s29 =	simm.s32 $0x0  }
0x5: {  	[smem:$0x7FF] =	sst s1;
	s2 =	sadd.s32 $0x3BE00, s0;
	s3 =	sadd.s32 $0x38C00, s0  }
0x6: {  	s4 =	sadd.s32 $0x35A00, s0;
	s5 =	sadd.s32 $0x32800, s0;
	s6 =	sadd.s32 $0x2F600, s0  }
0x7: {  	s7 =	sadd.s32 $0x2C400, s0;
	s8 =	sadd.s32 $0x29200, s0;
	s9 =	sadd.s32 $0x26000, s0  }
0x8: {  	s10 =	sadd.s32 $0x22E00, s0;
	s12 =	sadd.s32 $0x1FC00, s0;
	s13 =	sadd.s32 $0x1CA00, s0  }
0x9: {  	s14 =	sadd.s32 $0x19800, s0;
	s15 =	sadd.s32 $0x16600, s0;
	s11 =	sand.u32 $0x1, s11  }
0xa: {  	s17 =	sshll.u32 s18, $0x1;
	s16 =	sadd.s32 $0x13400, s0;
	s18 =	sshrl.u32 s18, $0x2  }
0xb: {  	_ =	strace $0x80000047;
	s19 =	sor.u32 s11, s17;
	s17 =	sadd.s32 $0x10200, s0  }
0xc: {  	s20 =	smul.u32 $0x1A000, s18;
	s18 =	sadd.s32 $0xD000, s0;
	s21 =	sshll.u32 s19, $0x7  }
0xd: {  	s11 =	ssub.s32 $0x2, s11;
	s19 =	sshll.u32 s19, $0x6;
	s21 =	sand.u32 $0x380, s21  }
0xe: {  	s22 =	sshrl.u32 s11, $0x1;
	s30 =	sadd.s32 s19, s0;
	s20 =	sor.u32 s20, s21  }
0xf: {  	v0 =	vlaneseq.u32;
	s11 =	ssub.s32 s11, s22;
	s22 =	simm.s32 $0x7400;
	s31 =	sshrl.u32 s20, $0x3  }
0x10: {  	v0 =	vmul.u32 $0x1A, v0;
	s21 =	smax.u32 s11, $0x1;
	s20 =	sadd.s32 $0x3F000, s30;
	s19 =	sadd.s32 s0, s31  }
.LBB2_1:
0x11: {  	_ = 	snop  }
0x12: {  	s0 =	simm.s32 $0x80;
	s11 =	simm.s32 $0x400;
	v1 =	vadd.s32 s1, v0  }
0x13: {  	[tilespmem:s1], [sflag:$0x2] =	stream.strided.gather [hbm4b:s19+s0], $0x3400, s11, s0, $0x38;
	[tilespmem:$0x7600] =	vst v63  }
0x14: {  	_ =	swait.ge [sflag:s24], $0x3400  }
0x15: {  	[sflag:s24] =	ssyncset.done $0x0  }
0x16: {  	[sflag:s24] =	ssyncadd.s32 $0xFFFFCC00  }
0x17: {  	s30 =	simm.s32 $0x1A0;
	v1 =	vld.idx.msk [tilespmem:v1+s1+$0x0], $0xffff  }
0x18: {  	v2 =	vadd.s32 s30, v0;
	_ =	sdelay $0x3  }
0x19: {  	[tilespmem:s26+$0x0] =	vst v1  }
0x1a: {  	s31 =	simm.s32 $0x340;
	v1 =	vld.idx.msk [tilespmem:v2+s1+$0x0], $0xffff  }
0x1b: {  	s11 =	simm.s32 $0x4E0;
	s0 =	simm.s32 $0x3600;
	v2 =	vadd.s32 s31, v0  }
.LBB2_2:
0x1c: {  	p0 =	sne.s32 s11, $0x3260;
	_ =	sdelay $0x1  }
.Ltmp0:
0x1d: {  	s0 =	sadd.s32 $0x10, s0;
	(pc) =	sbr.rel @p0 .LBB2_2-.Ltmp0, $3  }
0x1e: {  	[tilespmem:s0+$0x0] =	vst v1  }
0x1f: {  	v1 =	vld.idx.msk [tilespmem:v2+s1+$0x0], $0xffff;
	_ =	sdelay $0x1  }
0x20: {  	v2 =	vadd.s32 s11, v0;
	s11 =	sadd.s32 $0x1A0, s11  }
0x21: {  	_ =	sdelay $0x1  }
0x22: {  	s0 =	sadd.s32 $0x10, s0  }
0x23: {  	[tilespmem:s0+$0x0] =	vst v1  }
0x24: {  	v1 =	vld.idx.msk [tilespmem:v2+s1+$0x0], $0xffff  }
0x25: {  	s11 =	simm.s32 $0x1  }
0x26: {  	v2 =	vadd.s32 s11, v0;
	_ =	sdelay $0x1  }
0x27: {  	s0 =	sadd.s32 $0x10, s0  }
0x28: {  	s11 =	simm.s32 $0x5600;
	[tilespmem:s0+$0x0] =	vst v1  }
0x29: {  	[tilespmem:s11], [sflag:$0x1] =	stream.indirect.gather [hbm4b:s2+s25], $0x1, s26, s25, $0xb8;
	[tilespmem:$0x7600] =	vst v63  }
0x2a: {  	s30 =	simm.s32 $0x1A1;
	v1 =	vld.idx.msk [tilespmem:v2+s1+$0x0], $0xffff  }
0x2b: {  	v2 =	vadd.s32 s30, v0;
	_ =	sdelay $0x2  }
0x2c: {  	s0 =	simm.s32 $0x3800  }
0x2d: {  	[tilespmem:s0+$0x0] =	vst v1  }
0x2e: {  	s31 =	simm.s32 $0x341;
	v1 =	vld.idx.msk [tilespmem:v2+s1+$0x0], $0xffff  }
0x2f: {  	s11 =	simm.s32 $0x4E1;
	v2 =	vadd.s32 s31, v0  }
.LBB2_4:
0x30: {  	p0 =	sne.s32 s11, $0x3261;
	_ =	sdelay $0x1  }
.Ltmp1:
0x31: {  	s0 =	sadd.s32 $0x10, s0;
	(pc) =	sbr.rel @p0 .LBB2_4-.Ltmp1, $3  }
0x32: {  	[tilespmem:s0+$0x0] =	vst v1  }
0x33: {  	v1 =	vld.idx.msk [tilespmem:v2+s1+$0x0], $0xffff;
	_ =	sdelay $0x1  }
0x34: {  	v2 =	vadd.s32 s11, v0;
	s11 =	sadd.s32 $0x1A0, s11  }
0x35: {  	_ =	sdelay $0x1  }
0x36: {  	s0 =	sadd.s32 $0x10, s0  }
0x37: {  	[tilespmem:s0+$0x0] =	vst v1  }
0x38: {  	v1 =	vld.idx.msk [tilespmem:v2+s1+$0x0], $0xffff  }
0x39: {  	s11 =	simm.s32 $0x2  }
0x3a: {  	v2 =	vadd.s32 s11, v0;
	_ =	sdelay $0x1  }
0x3b: {  	s0 =	sadd.s32 $0x10, s0  }
0x3c: {  	s30 =	simm.s32 $0x3800;
	s31 =	simm.s32 $0x5800;
	[tilespmem:s0+$0x0] =	vst v1  }
0x3d: {  	[tilespmem:s31], [sflag:$0x1] =	stream.indirect.gather [hbm4b:s3+s25], $0x1, s30, s25, $0xb8;
	[tilespmem:$0x7600] =	vst v63  }
0x3e: {  	s30 =	simm.s32 $0x1A2;
	v1 =	vld.idx.msk [tilespmem:v2+s1+$0x0], $0xffff  }
0x3f: {  	v2 =	vadd.s32 s30, v0;
	_ =	sdelay $0x2  }
0x40: {  	s0 =	simm.s32 $0x3A00  }
0x41: {  	[tilespmem:s0+$0x0] =	vst v1  }
0x42: {  	s31 =	simm.s32 $0x342;
	v1 =	vld.idx.msk [tilespmem:v2+s1+$0x0], $0xffff  }
0x43: {  	s11 =	simm.s32 $0x4E2;
	v2 =	vadd.s32 s31, v0  }
.LBB2_6:
0x44: {  	p0 =	sne.s32 s11, $0x3262;
	_ =	sdelay $0x1  }
.Ltmp2:
0x45: {  	s0 =	sadd.s32 $0x10, s0;
	(pc) =	sbr.rel @p0 .LBB2_6-.Ltmp2, $3  }
0x46: {  	[tilespmem:s0+$0x0] =	vst v1  }
0x47: {  	v1 =	vld.idx.msk [tilespmem:v2+s1+$0x0], $0xffff;
	_ =	sdelay $0x1  }
0x48: {  	v2 =	vadd.s32 s11, v0;
	s11 =	sadd.s32 $0x1A0, s11  }
0x49: {  	_ =	sdelay $0x1  }
0x4a: {  	s0 =	sadd.s32 $0x10, s0  }
0x4b: {  	[tilespmem:s0+$0x0] =	vst v1  }
0x4c: {  	v1 =	vld.idx.msk [tilespmem:v2+s1+$0x0], $0xffff  }
0x4d: {  	s11 =	simm.s32 $0x3  }
0x4e: {  	v2 =	vadd.s32 s11, v0;
	_ =	sdelay $0x1  }
0x4f: {  	s0 =	sadd.s32 $0x10, s0  }
0x50: {  	s30 =	simm.s32 $0x3A00;
	s31 =	simm.s32 $0x5A00;
	[tilespmem:s0+$0x0] =	vst v1  }
0x51: {  	[tilespmem:s31], [sflag:$0x1] =	stream.indirect.gather [hbm4b:s4+s25], $0x1, s30, s25, $0xb8;
	[tilespmem:$0x7600] =	vst v63  }
0x52: {  	s30 =	simm.s32 $0x1A3;
	v1 =	vld.idx.msk [tilespmem:v2+s1+$0x0], $0xffff  }
0x53: {  	v2 =	vadd.s32 s30, v0;
	_ =	sdelay $0x2  }
0x54: {  	s0 =	simm.s32 $0x3C00  }
0x55: {  	[tilespmem:s0+$0x0] =	vst v1  }
0x56: {  	s31 =	simm.s32 $0x343;
	v1 =	vld.idx.msk [tilespmem:v2+s1+$0x0], $0xffff  }
0x57: {  	s11 =	simm.s32 $0x4E3;
	v2 =	vadd.s32 s31, v0  }
.LBB2_8:
0x58: {  	p0 =	sne.s32 s11, $0x3263;
	_ =	sdelay $0x1  }
.Ltmp3:
0x59: {  	s0 =	sadd.s32 $0x10, s0;
	(pc) =	sbr.rel @p0 .LBB2_8-.Ltmp3, $3  }
0x5a: {  	[tilespmem:s0+$0x0] =	vst v1  }
0x5b: {  	v1 =	vld.idx.msk [tilespmem:v2+s1+$0x0], $0xffff;
	_ =	sdelay $0x1  }
0x5c: {  	v2 =	vadd.s32 s11, v0;
	s11 =	sadd.s32 $0x1A0, s11  }
0x5d: {  	_ =	sdelay $0x1  }
0x5e: {  	s0 =	sadd.s32 $0x10, s0  }
0x5f: {  	[tilespmem:s0+$0x0] =	vst v1  }
0x60: {  	v1 =	vld.idx.msk [tilespmem:v2+s1+$0x0], $0xffff  }
0x61: {  	s11 =	simm.s32 $0x4  }
0x62: {  	v2 =	vadd.s32 s11, v0;
	_ =	sdelay $0x1  }
0x63: {  	s0 =	sadd.s32 $0x10, s0  }
0x64: {  	s30 =	simm.s32 $0x3C00;
	s31 =	simm.s32 $0x5C00;
	[tilespmem:s0+$0x0] =	vst v1  }
0x65: {  	[tilespmem:s31], [sflag:$0x1] =	stream.indirect.gather [hbm4b:s5+s25], $0x1, s30, s25, $0xb8;
	[tilespmem:$0x7600] =	vst v63  }
0x66: {  	s30 =	simm.s32 $0x1A4;
	v1 =	vld.idx.msk [tilespmem:v2+s1+$0x0], $0xffff  }
0x67: {  	v2 =	vadd.s32 s30, v0;
	_ =	sdelay $0x2  }
0x68: {  	s0 =	simm.s32 $0x3E00  }
0x69: {  	[tilespmem:s0+$0x0] =	vst v1  }
0x6a: {  	s31 =	simm.s32 $0x344;
	v1 =	vld.idx.msk [tilespmem:v2+s1+$0x0], $0xffff  }
0x6b: {  	s11 =	simm.s32 $0x4E4;
	v2 =	vadd.s32 s31, v0  }
.LBB2_10:
0x6c: {  	p0 =	sne.s32 s11, $0x3264;
	_ =	sdelay $0x1  }
.Ltmp4:
0x6d: {  	s0 =	sadd.s32 $0x10, s0;
	(pc) =	sbr.rel @p0 .LBB2_10-.Ltmp4, $3  }
0x6e: {  	[tilespmem:s0+$0x0] =	vst v1  }
0x6f: {  	v1 =	vld.idx.msk [tilespmem:v2+s1+$0x0], $0xffff;
	_ =	sdelay $0x1  }
0x70: {  	v2 =	vadd.s32 s11, v0;
	s11 =	sadd.s32 $0x1A0, s11  }
0x71: {  	_ =	sdelay $0x1  }
0x72: {  	s0 =	sadd.s32 $0x10, s0  }
0x73: {  	[tilespmem:s0+$0x0] =	vst v1  }
0x74: {  	v1 =	vld.idx.msk [tilespmem:v2+s1+$0x0], $0xffff  }
0x75: {  	s11 =	simm.s32 $0x5  }
0x76: {  	v2 =	vadd.s32 s11, v0;
	_ =	sdelay $0x1  }
0x77: {  	s0 =	sadd.s32 $0x10, s0  }
0x78: {  	s30 =	simm.s32 $0x3E00;
	s31 =	simm.s32 $0x5E00;
	[tilespmem:s0+$0x0] =	vst v1  }
0x79: {  	[tilespmem:s31], [sflag:$0x1] =	stream.indirect.gather [hbm4b:s6+s25], $0x1, s30, s25, $0xb8;
	[tilespmem:$0x7600] =	vst v63  }
0x7a: {  	s30 =	simm.s32 $0x1A5;
	v1 =	vld.idx.msk [tilespmem:v2+s1+$0x0], $0xffff  }
0x7b: {  	v2 =	vadd.s32 s30, v0;
	_ =	sdelay $0x2  }
0x7c: {  	s0 =	simm.s32 $0x4000  }
0x7d: {  	[tilespmem:s0+$0x0] =	vst v1  }
0x7e: {  	s31 =	simm.s32 $0x345;
	v1 =	vld.idx.msk [tilespmem:v2+s1+$0x0], $0xffff  }
0x7f: {  	s11 =	simm.s32 $0x4E5;
	v2 =	vadd.s32 s31, v0  }
.LBB2_12:
0x80: {  	p0 =	sne.s32 s11, $0x3265;
	_ =	sdelay $0x1  }
.Ltmp5:
0x81: {  	s0 =	sadd.s32 $0x10, s0;
	(pc) =	sbr.rel @p0 .LBB2_12-.Ltmp5, $3  }
0x82: {  	[tilespmem:s0+$0x0] =	vst v1  }
0x83: {  	v1 =	vld.idx.msk [tilespmem:v2+s1+$0x0], $0xffff;
	_ =	sdelay $0x1  }
0x84: {  	v2 =	vadd.s32 s11, v0;
	s11 =	sadd.s32 $0x1A0, s11  }
0x85: {  	_ =	sdelay $0x1  }
0x86: {  	s0 =	sadd.s32 $0x10, s0  }
0x87: {  	[tilespmem:s0+$0x0] =	vst v1  }
0x88: {  	v1 =	vld.idx.msk [tilespmem:v2+s1+$0x0], $0xffff  }
0x89: {  	s11 =	simm.s32 $0x6  }
0x8a: {  	v2 =	vadd.s32 s11, v0;
	_ =	sdelay $0x1  }
0x8b: {  	s0 =	sadd.s32 $0x10, s0  }
0x8c: {  	s30 =	simm.s32 $0x4000;
	s31 =	simm.s32 $0x6000;
	[tilespmem:s0+$0x0] =	vst v1  }
0x8d: {  	[tilespmem:s31], [sflag:$0x1] =	stream.indirect.gather [hbm4b:s7+s25], $0x1, s30, s25, $0xb8;
	[tilespmem:$0x7600] =	vst v63  }
0x8e: {  	s30 =	simm.s32 $0x1A6;
	v1 =	vld.idx.msk [tilespmem:v2+s1+$0x0], $0xffff  }
0x8f: {  	v2 =	vadd.s32 s30, v0;
	_ =	sdelay $0x2  }
0x90: {  	s0 =	simm.s32 $0x4200  }
0x91: {  	[tilespmem:s0+$0x0] =	vst v1  }
0x92: {  	s31 =	simm.s32 $0x346;
	v1 =	vld.idx.msk [tilespmem:v2+s1+$0x0], $0xffff  }
0x93: {  	s11 =	simm.s32 $0x4E6;
	v2 =	vadd.s32 s31, v0  }
.LBB2_14:
0x94: {  	p0 =	sne.s32 s11, $0x3266;
	_ =	sdelay $0x1  }
.Ltmp6:
0x95: {  	s0 =	sadd.s32 $0x10, s0;
	(pc) =	sbr.rel @p0 .LBB2_14-.Ltmp6, $3  }
0x96: {  	[tilespmem:s0+$0x0] =	vst v1  }
0x97: {  	v1 =	vld.idx.msk [tilespmem:v2+s1+$0x0], $0xffff;
	_ =	sdelay $0x1  }
0x98: {  	v2 =	vadd.s32 s11, v0;
	s11 =	sadd.s32 $0x1A0, s11  }
0x99: {  	_ =	sdelay $0x1  }
0x9a: {  	s0 =	sadd.s32 $0x10, s0  }
0x9b: {  	[tilespmem:s0+$0x0] =	vst v1  }
0x9c: {  	v1 =	vld.idx.msk [tilespmem:v2+s1+$0x0], $0xffff  }
0x9d: {  	s11 =	simm.s32 $0x7  }
0x9e: {  	v2 =	vadd.s32 s11, v0;
	_ =	sdelay $0x1  }
0x9f: {  	s0 =	sadd.s32 $0x10, s0  }
0xa0: {  	s30 =	simm.s32 $0x4200;
	s31 =	simm.s32 $0x6200;
	[tilespmem:s0+$0x0] =	vst v1  }
0xa1: {  	[tilespmem:s31], [sflag:$0x1] =	stream.indirect.gather [hbm4b:s8+s25], $0x1, s30, s25, $0xb8;
	[tilespmem:$0x7600] =	vst v63  }
0xa2: {  	s30 =	simm.s32 $0x1A7;
	v1 =	vld.idx.msk [tilespmem:v2+s1+$0x0], $0xffff  }
0xa3: {  	v2 =	vadd.s32 s30, v0;
	_ =	sdelay $0x2  }
0xa4: {  	s0 =	simm.s32 $0x4400  }
0xa5: {  	[tilespmem:s0+$0x0] =	vst v1  }
0xa6: {  	s31 =	simm.s32 $0x347;
	v1 =	vld.idx.msk [tilespmem:v2+s1+$0x0], $0xffff  }
0xa7: {  	s11 =	simm.s32 $0x4E7;
	v2 =	vadd.s32 s31, v0  }
.LBB2_16:
0xa8: {  	p0 =	sne.s32 s11, $0x3267;
	_ =	sdelay $0x1  }
.Ltmp7:
0xa9: {  	s0 =	sadd.s32 $0x10, s0;
	(pc) =	sbr.rel @p0 .LBB2_16-.Ltmp7, $3  }
0xaa: {  	[tilespmem:s0+$0x0] =	vst v1  }
0xab: {  	v1 =	vld.idx.msk [tilespmem:v2+s1+$0x0], $0xffff;
	_ =	sdelay $0x1  }
0xac: {  	v2 =	vadd.s32 s11, v0;
	s11 =	sadd.s32 $0x1A0, s11  }
0xad: {  	_ =	sdelay $0x1  }
0xae: {  	s0 =	sadd.s32 $0x10, s0  }
0xaf: {  	[tilespmem:s0+$0x0] =	vst v1  }
0xb0: {  	v1 =	vld.idx.msk [tilespmem:v2+s1+$0x0], $0xffff  }
0xb1: {  	s11 =	simm.s32 $0x8  }
0xb2: {  	v2 =	vadd.s32 s11, v0;
	_ =	sdelay $0x1  }
0xb3: {  	s0 =	sadd.s32 $0x10, s0  }
0xb4: {  	s30 =	simm.s32 $0x4400;
	s31 =	simm.s32 $0x6400;
	[tilespmem:s0+$0x0] =	vst v1  }
0xb5: {  	[tilespmem:s31], [sflag:$0x1] =	stream.indirect.gather [hbm4b:s9+s25], $0x1, s30, s25, $0xb8;
	[tilespmem:$0x7600] =	vst v63  }
0xb6: {  	s30 =	simm.s32 $0x1A8;
	v1 =	vld.idx.msk [tilespmem:v2+s1+$0x0], $0xffff  }
0xb7: {  	v2 =	vadd.s32 s30, v0;
	_ =	sdelay $0x2  }
0xb8: {  	s0 =	simm.s32 $0x4600  }
0xb9: {  	[tilespmem:s0+$0x0] =	vst v1  }
0xba: {  	s31 =	simm.s32 $0x348;
	v1 =	vld.idx.msk [tilespmem:v2+s1+$0x0], $0xffff  }
0xbb: {  	s11 =	simm.s32 $0x4E8;
	v2 =	vadd.s32 s31, v0  }
.LBB2_18:
0xbc: {  	p0 =	sne.s32 s11, $0x3268;
	_ =	sdelay $0x1  }
.Ltmp8:
0xbd: {  	s0 =	sadd.s32 $0x10, s0;
	(pc) =	sbr.rel @p0 .LBB2_18-.Ltmp8, $3  }
0xbe: {  	[tilespmem:s0+$0x0] =	vst v1  }
0xbf: {  	v1 =	vld.idx.msk [tilespmem:v2+s1+$0x0], $0xffff;
	_ =	sdelay $0x1  }
0xc0: {  	v2 =	vadd.s32 s11, v0;
	s11 =	sadd.s32 $0x1A0, s11  }
0xc1: {  	_ =	sdelay $0x1  }
0xc2: {  	s0 =	sadd.s32 $0x10, s0  }
0xc3: {  	[tilespmem:s0+$0x0] =	vst v1  }
0xc4: {  	v1 =	vld.idx.msk [tilespmem:v2+s1+$0x0], $0xffff  }
0xc5: {  	s11 =	simm.s32 $0x9  }
0xc6: {  	v2 =	vadd.s32 s11, v0;
	_ =	sdelay $0x1  }
0xc7: {  	s0 =	sadd.s32 $0x10, s0  }
0xc8: {  	s30 =	simm.s32 $0x4600;
	s31 =	simm.s32 $0x6600;
	[tilespmem:s0+$0x0] =	vst v1  }
0xc9: {  	[tilespmem:s31], [sflag:$0x1] =	stream.indirect.gather [hbm4b:s10+s25], $0x1, s30, s25, $0xb8;
	[tilespmem:$0x7600] =	vst v63  }
0xca: {  	s30 =	simm.s32 $0x1A9;
	v1 =	vld.idx.msk [tilespmem:v2+s1+$0x0], $0xffff  }
0xcb: {  	v2 =	vadd.s32 s30, v0;
	_ =	sdelay $0x2  }
0xcc: {  	s0 =	simm.s32 $0x4800  }
0xcd: {  	[tilespmem:s0+$0x0] =	vst v1  }
0xce: {  	s31 =	simm.s32 $0x349;
	v1 =	vld.idx.msk [tilespmem:v2+s1+$0x0], $0xffff  }
0xcf: {  	s11 =	simm.s32 $0x4E9;
	v2 =	vadd.s32 s31, v0  }
.LBB2_20:
0xd0: {  	p0 =	sne.s32 s11, $0x3269;
	_ =	sdelay $0x1  }
.Ltmp9:
0xd1: {  	s0 =	sadd.s32 $0x10, s0;
	(pc) =	sbr.rel @p0 .LBB2_20-.Ltmp9, $3  }
0xd2: {  	[tilespmem:s0+$0x0] =	vst v1  }
0xd3: {  	v1 =	vld.idx.msk [tilespmem:v2+s1+$0x0], $0xffff;
	_ =	sdelay $0x1  }
0xd4: {  	v2 =	vadd.s32 s11, v0;
	s11 =	sadd.s32 $0x1A0, s11  }
0xd5: {  	_ =	sdelay $0x1  }
0xd6: {  	s0 =	sadd.s32 $0x10, s0  }
0xd7: {  	[tilespmem:s0+$0x0] =	vst v1  }
0xd8: {  	v1 =	vld.idx.msk [tilespmem:v2+s1+$0x0], $0xffff  }
0xd9: {  	s11 =	simm.s32 $0xA  }
0xda: {  	v2 =	vadd.s32 s11, v0;
	_ =	sdelay $0x1  }
0xdb: {  	s0 =	sadd.s32 $0x10, s0  }
0xdc: {  	s30 =	simm.s32 $0x4800;
	s31 =	simm.s32 $0x6800;
	[tilespmem:s0+$0x0] =	vst v1  }
0xdd: {  	[tilespmem:s31], [sflag:$0x1] =	stream.indirect.gather [hbm4b:s12+s25], $0x1, s30, s25, $0xb8;
	[tilespmem:$0x7600] =	vst v63  }
0xde: {  	s30 =	simm.s32 $0x1AA;
	v1 =	vld.idx.msk [tilespmem:v2+s1+$0x0], $0xffff  }
0xdf: {  	v2 =	vadd.s32 s30, v0;
	_ =	sdelay $0x2  }
0xe0: {  	s0 =	simm.s32 $0x4A00  }
0xe1: {  	[tilespmem:s0+$0x0] =	vst v1  }
0xe2: {  	s31 =	simm.s32 $0x34A;
	v1 =	vld.idx.msk [tilespmem:v2+s1+$0x0], $0xffff  }
0xe3: {  	s11 =	simm.s32 $0x4EA;
	v2 =	vadd.s32 s31, v0  }
.LBB2_22:
0xe4: {  	p0 =	sne.s32 s11, $0x326A;
	_ =	sdelay $0x1  }
.Ltmp10:
0xe5: {  	s0 =	sadd.s32 $0x10, s0;
	(pc) =	sbr.rel @p0 .LBB2_22-.Ltmp10, $3  }
0xe6: {  	[tilespmem:s0+$0x0] =	vst v1  }
0xe7: {  	v1 =	vld.idx.msk [tilespmem:v2+s1+$0x0], $0xffff;
	_ =	sdelay $0x1  }
0xe8: {  	v2 =	vadd.s32 s11, v0;
	s11 =	sadd.s32 $0x1A0, s11  }
0xe9: {  	_ =	sdelay $0x1  }
0xea: {  	s0 =	sadd.s32 $0x10, s0  }
0xeb: {  	[tilespmem:s0+$0x0] =	vst v1  }
0xec: {  	v1 =	vld.idx.msk [tilespmem:v2+s1+$0x0], $0xffff  }
0xed: {  	s11 =	simm.s32 $0xB  }
0xee: {  	v2 =	vadd.s32 s11, v0;
	_ =	sdelay $0x1  }
0xef: {  	s0 =	sadd.s32 $0x10, s0  }
0xf0: {  	s30 =	simm.s32 $0x4A00;
	s31 =	simm.s32 $0x6A00;
	[tilespmem:s0+$0x0] =	vst v1  }
0xf1: {  	[tilespmem:s31], [sflag:$0x1] =	stream.indirect.gather [hbm4b:s13+s25], $0x1, s30, s25, $0xb8;
	[tilespmem:$0x7600] =	vst v63  }
0xf2: {  	s30 =	simm.s32 $0x1AB;
	v1 =	vld.idx.msk [tilespmem:v2+s1+$0x0], $0xffff  }
0xf3: {  	v2 =	vadd.s32 s30, v0;
	_ =	sdelay $0x2  }
0xf4: {  	s0 =	simm.s32 $0x4C00  }
0xf5: {  	[tilespmem:s0+$0x0] =	vst v1  }
0xf6: {  	s31 =	simm.s32 $0x34B;
	v1 =	vld.idx.msk [tilespmem:v2+s1+$0x0], $0xffff  }
0xf7: {  	s11 =	simm.s32 $0x4EB;
	v2 =	vadd.s32 s31, v0  }
.LBB2_24:
0xf8: {  	p0 =	sne.s32 s11, $0x326B;
	_ =	sdelay $0x1  }
.Ltmp11:
0xf9: {  	s0 =	sadd.s32 $0x10, s0;
	(pc) =	sbr.rel @p0 .LBB2_24-.Ltmp11, $3  }
0xfa: {  	[tilespmem:s0+$0x0] =	vst v1  }
0xfb: {  	v1 =	vld.idx.msk [tilespmem:v2+s1+$0x0], $0xffff;
	_ =	sdelay $0x1  }
0xfc: {  	v2 =	vadd.s32 s11, v0;
	s11 =	sadd.s32 $0x1A0, s11  }
0xfd: {  	_ =	sdelay $0x1  }
0xfe: {  	s0 =	sadd.s32 $0x10, s0  }
0xff: {  	[tilespmem:s0+$0x0] =	vst v1  }
0x100: {  	v1 =	vld.idx.msk [tilespmem:v2+s1+$0x0], $0xffff  }
0x101: {  	s11 =	simm.s32 $0xC  }
0x102: {  	v2 =	vadd.s32 s11, v0;
	_ =	sdelay $0x1  }
0x103: {  	s0 =	sadd.s32 $0x10, s0  }
0x104: {  	s30 =	simm.s32 $0x4C00;
	s31 =	simm.s32 $0x6C00;
	[tilespmem:s0+$0x0] =	vst v1  }
0x105: {  	[tilespmem:s31], [sflag:$0x1] =	stream.indirect.gather [hbm4b:s14+s25], $0x1, s30, s25, $0xb8;
	[tilespmem:$0x7600] =	vst v63  }
0x106: {  	s30 =	simm.s32 $0x1AC;
	v1 =	vld.idx.msk [tilespmem:v2+s1+$0x0], $0xffff  }
0x107: {  	v2 =	vadd.s32 s30, v0;
	_ =	sdelay $0x2  }
0x108: {  	s0 =	simm.s32 $0x4E00  }
0x109: {  	[tilespmem:s0+$0x0] =	vst v1  }
0x10a: {  	s31 =	simm.s32 $0x34C;
	v1 =	vld.idx.msk [tilespmem:v2+s1+$0x0], $0xffff  }
0x10b: {  	s11 =	simm.s32 $0x4EC;
	v2 =	vadd.s32 s31, v0  }
.LBB2_26:
0x10c: {  	p0 =	sne.s32 s11, $0x326C;
	_ =	sdelay $0x1  }
.Ltmp12:
0x10d: {  	s0 =	sadd.s32 $0x10, s0;
	(pc) =	sbr.rel @p0 .LBB2_26-.Ltmp12, $3  }
0x10e: {  	[tilespmem:s0+$0x0] =	vst v1  }
0x10f: {  	v1 =	vld.idx.msk [tilespmem:v2+s1+$0x0], $0xffff;
	_ =	sdelay $0x1  }
0x110: {  	v2 =	vadd.s32 s11, v0;
	s11 =	sadd.s32 $0x1A0, s11  }
0x111: {  	_ =	sdelay $0x1  }
0x112: {  	s0 =	sadd.s32 $0x10, s0  }
0x113: {  	[tilespmem:s0+$0x0] =	vst v1  }
0x114: {  	v1 =	vld.idx.msk [tilespmem:v2+s1+$0x0], $0xffff  }
0x115: {  	s11 =	simm.s32 $0xD  }
0x116: {  	v2 =	vadd.s32 s11, v0;
	_ =	sdelay $0x1  }
0x117: {  	s0 =	sadd.s32 $0x10, s0  }
0x118: {  	s30 =	simm.s32 $0x4E00;
	s31 =	simm.s32 $0x6E00;
	[tilespmem:s0+$0x0] =	vst v1  }
0x119: {  	[tilespmem:s31], [sflag:$0x1] =	stream.indirect.gather [hbm4b:s15+s25], $0x1, s30, s25, $0xb8;
	[tilespmem:$0x7600] =	vst v63  }
0x11a: {  	s30 =	simm.s32 $0x1AD;
	v1 =	vld.idx.msk [tilespmem:v2+s1+$0x0], $0xffff  }
0x11b: {  	v2 =	vadd.s32 s30, v0;
	_ =	sdelay $0x2  }
0x11c: {  	s0 =	simm.s32 $0x5000  }
0x11d: {  	[tilespmem:s0+$0x0] =	vst v1  }
0x11e: {  	s31 =	simm.s32 $0x34D;
	v1 =	vld.idx.msk [tilespmem:v2+s1+$0x0], $0xffff  }
0x11f: {  	s11 =	simm.s32 $0x4ED;
	v2 =	vadd.s32 s31, v0  }
.LBB2_28:
0x120: {  	p0 =	sne.s32 s11, $0x326D;
	_ =	sdelay $0x1  }
.Ltmp13:
0x121: {  	s0 =	sadd.s32 $0x10, s0;
	(pc) =	sbr.rel @p0 .LBB2_28-.Ltmp13, $3  }
0x122: {  	[tilespmem:s0+$0x0] =	vst v1  }
0x123: {  	v1 =	vld.idx.msk [tilespmem:v2+s1+$0x0], $0xffff;
	_ =	sdelay $0x1  }
0x124: {  	v2 =	vadd.s32 s11, v0;
	s11 =	sadd.s32 $0x1A0, s11  }
0x125: {  	_ =	sdelay $0x1  }
0x126: {  	s0 =	sadd.s32 $0x10, s0  }
0x127: {  	[tilespmem:s0+$0x0] =	vst v1  }
0x128: {  	v1 =	vld.idx.msk [tilespmem:v2+s1+$0x0], $0xffff  }
0x129: {  	s11 =	simm.s32 $0xE  }
0x12a: {  	v2 =	vadd.s32 s11, v0;
	_ =	sdelay $0x1  }
0x12b: {  	s0 =	sadd.s32 $0x10, s0  }
0x12c: {  	s30 =	simm.s32 $0x5000;
	s31 =	simm.s32 $0x7000;
	[tilespmem:s0+$0x0] =	vst v1  }
0x12d: {  	[tilespmem:s31], [sflag:$0x1] =	stream.indirect.gather [hbm4b:s16+s25], $0x1, s30, s25, $0xb8;
	[tilespmem:$0x7600] =	vst v63  }
0x12e: {  	s30 =	simm.s32 $0x1AE;
	v1 =	vld.idx.msk [tilespmem:v2+s1+$0x0], $0xffff  }
0x12f: {  	v2 =	vadd.s32 s30, v0;
	_ =	sdelay $0x2  }
0x130: {  	s0 =	simm.s32 $0x5200  }
0x131: {  	[tilespmem:s0+$0x0] =	vst v1  }
0x132: {  	s31 =	simm.s32 $0x34E;
	v1 =	vld.idx.msk [tilespmem:v2+s1+$0x0], $0xffff  }
0x133: {  	s11 =	simm.s32 $0x4EE;
	v2 =	vadd.s32 s31, v0  }
.LBB2_30:
0x134: {  	p0 =	sne.s32 s11, $0x326E;
	_ =	sdelay $0x1  }
.Ltmp14:
0x135: {  	s0 =	sadd.s32 $0x10, s0;
	(pc) =	sbr.rel @p0 .LBB2_30-.Ltmp14, $3  }
0x136: {  	[tilespmem:s0+$0x0] =	vst v1  }
0x137: {  	v1 =	vld.idx.msk [tilespmem:v2+s1+$0x0], $0xffff;
	_ =	sdelay $0x1  }
0x138: {  	v2 =	vadd.s32 s11, v0;
	s11 =	sadd.s32 $0x1A0, s11  }
0x139: {  	_ =	sdelay $0x1  }
0x13a: {  	s0 =	sadd.s32 $0x10, s0  }
0x13b: {  	[tilespmem:s0+$0x0] =	vst v1  }
0x13c: {  	v1 =	vld.idx.msk [tilespmem:v2+s1+$0x0], $0xffff  }
0x13d: {  	s11 =	simm.s32 $0xF  }
0x13e: {  	v2 =	vadd.s32 s11, v0;
	_ =	sdelay $0x1  }
0x13f: {  	s0 =	sadd.s32 $0x10, s0  }
0x140: {  	s30 =	simm.s32 $0x5200;
	s31 =	simm.s32 $0x7200;
	[tilespmem:s0+$0x0] =	vst v1  }
0x141: {  	[tilespmem:s31], [sflag:$0x1] =	stream.indirect.gather [hbm4b:s17+s25], $0x1, s30, s25, $0xb8;
	[tilespmem:$0x7600] =	vst v63  }
0x142: {  	s30 =	simm.s32 $0x1AF;
	v1 =	vld.idx.msk [tilespmem:v2+s1+$0x0], $0xffff  }
0x143: {  	v2 =	vadd.s32 s30, v0;
	_ =	sdelay $0x2  }
0x144: {  	s0 =	simm.s32 $0x5400  }
0x145: {  	[tilespmem:s0+$0x0] =	vst v1  }
0x146: {  	s31 =	simm.s32 $0x34F;
	v1 =	vld.idx.msk [tilespmem:v2+s1+$0x0], $0xffff  }
0x147: {  	s11 =	simm.s32 $0x4EF;
	v2 =	vadd.s32 s31, v0  }
.LBB2_32:
0x148: {  	p0 =	sne.s32 s11, $0x326F;
	_ =	sdelay $0x1  }
.Ltmp15:
0x149: {  	s0 =	sadd.s32 $0x10, s0;
	(pc) =	sbr.rel @p0 .LBB2_32-.Ltmp15, $3  }
0x14a: {  	[tilespmem:s0+$0x0] =	vst v1  }
0x14b: {  	v1 =	vld.idx.msk [tilespmem:v2+s1+$0x0], $0xffff;
	_ =	sdelay $0x1  }
0x14c: {  	v2 =	vadd.s32 s11, v0;
	s11 =	sadd.s32 $0x1A0, s11  }
0x14d: {  	_ =	sdelay $0x1  }
0x14e: {  	s0 =	sadd.s32 $0x10, s0  }
0x14f: {  	[tilespmem:s0+$0x0] =	vst v1  }
0x150: {  	v1 =	vld.idx.msk [tilespmem:v2+s1+$0x0], $0xffff;
	_ =	sdelay $0x3  }
0x151: {  	s0 =	sadd.s32 $0x10, s0  }
0x152: {  	s11 =	simm.s32 $0x5400;
	[tilespmem:s0+$0x0] =	vst v1  }
0x153: {  	[tilespmem:s22], [sflag:$0x1] =	stream.indirect.gather [hbm4b:s18+s25], $0x1, s11, s25, $0xb8;
	[tilespmem:$0x7600] =	vst v63  }
0x154: {  	_ =	swait.ge [sflag:s23], $0x200  }
0x155: {  	[sflag:s23] =	ssyncset.done $0x0  }
0x156: {  	[sflag:s23] =	ssyncadd.s32 $0xFFFFFE00  }
0x157: {  	_ =	swait.ge [sflag:s23], $0x200  }
0x158: {  	[sflag:s23] =	ssyncset.done $0x0  }
0x159: {  	[sflag:s23] =	ssyncadd.s32 $0xFFFFFE00  }
0x15a: {  	_ =	swait.ge [sflag:s23], $0x200  }
0x15b: {  	[sflag:s23] =	ssyncset.done $0x0  }
0x15c: {  	[sflag:s23] =	ssyncadd.s32 $0xFFFFFE00  }
0x15d: {  	_ =	swait.ge [sflag:s23], $0x200  }
0x15e: {  	[sflag:s23] =	ssyncset.done $0x0  }
0x15f: {  	[sflag:s23] =	ssyncadd.s32 $0xFFFFFE00  }
0x160: {  	_ =	swait.ge [sflag:s23], $0x200  }
0x161: {  	[sflag:s23] =	ssyncset.done $0x0  }
0x162: {  	[sflag:s23] =	ssyncadd.s32 $0xFFFFFE00  }
0x163: {  	_ =	swait.ge [sflag:s23], $0x200  }
0x164: {  	[sflag:s23] =	ssyncset.done $0x0  }
0x165: {  	[sflag:s23] =	ssyncadd.s32 $0xFFFFFE00  }
0x166: {  	_ =	swait.ge [sflag:s23], $0x200  }
0x167: {  	[sflag:s23] =	ssyncset.done $0x0  }
0x168: {  	[sflag:s23] =	ssyncadd.s32 $0xFFFFFE00  }
0x169: {  	_ =	swait.ge [sflag:s23], $0x200  }
0x16a: {  	[sflag:s23] =	ssyncset.done $0x0  }
0x16b: {  	[sflag:s23] =	ssyncadd.s32 $0xFFFFFE00  }
0x16c: {  	_ =	swait.ge [sflag:s23], $0x200  }
0x16d: {  	[sflag:s23] =	ssyncset.done $0x0  }
0x16e: {  	[sflag:s23] =	ssyncadd.s32 $0xFFFFFE00  }
0x16f: {  	_ =	swait.ge [sflag:s23], $0x200  }
0x170: {  	[sflag:s23] =	ssyncset.done $0x0  }
0x171: {  	[sflag:s23] =	ssyncadd.s32 $0xFFFFFE00  }
0x172: {  	_ =	swait.ge [sflag:s23], $0x200  }
0x173: {  	[sflag:s23] =	ssyncset.done $0x0  }
0x174: {  	[sflag:s23] =	ssyncadd.s32 $0xFFFFFE00  }
0x175: {  	_ =	swait.ge [sflag:s23], $0x200  }
0x176: {  	[sflag:s23] =	ssyncset.done $0x0  }
0x177: {  	[sflag:s23] =	ssyncadd.s32 $0xFFFFFE00  }
0x178: {  	_ =	swait.ge [sflag:s23], $0x200  }
0x179: {  	[sflag:s23] =	ssyncset.done $0x0  }
0x17a: {  	[sflag:s23] =	ssyncadd.s32 $0xFFFFFE00  }
0x17b: {  	_ =	swait.ge [sflag:s23], $0x200  }
0x17c: {  	[sflag:s23] =	ssyncset.done $0x0  }
0x17d: {  	[sflag:s23] =	ssyncadd.s32 $0xFFFFFE00  }
0x17e: {  	_ =	swait.ge [sflag:s23], $0x200  }
0x17f: {  	[sflag:s23] =	ssyncset.done $0x0  }
0x180: {  	[sflag:s23] =	ssyncadd.s32 $0xFFFFFE00  }
0x181: {  	_ =	swait.ge [sflag:s23], $0x200  }
0x182: {  	[sflag:s23] =	ssyncset.done $0x0  }
0x183: {  	s31 =	simm.s32 $0x0;
	[sflag:s23] =	ssyncadd.s32 $0xFFFFFE00  }
0x184: {  	v1 =	vld [tilespmem:s31+$0x5600]  }
0x185: {  	v2 =	vld [tilespmem:s31+$0x5800];
	_ =	sdelay $0x1  }
0x186: {  	v3 =	vld [tilespmem:s31+$0x5A00];
	_ =	sdelay $0x1  }
0x187: {  	v4 =	vld [tilespmem:s31+$0x5C00]  }
0x188: {  	v1 =	vadd.f32 v2, v1  }
0x189: {  	v2 =	vld [tilespmem:s31+$0x5E00]  }
0x18a: {  	v1 =	vadd.f32 v3, v1  }
0x18b: {  	v3 =	vld [tilespmem:s31+$0x6000]  }
0x18c: {  	v1 =	vadd.f32 v4, v1  }
0x18d: {  	v4 =	vld [tilespmem:s31+$0x6200]  }
0x18e: {  	v1 =	vadd.f32 v2, v1  }
0x18f: {  	v2 =	vld [tilespmem:s31+$0x6400]  }
0x190: {  	s30 =	simm.s32 $0x10;
	v5 =	vld [tilespmem:s31+$0x6600];
	v1 =	vadd.f32 v3, v1  }
0x191: {  	v6 =	vld [tilespmem:s30+$0x5600]  }
0x192: {  	v3 =	vld [tilespmem:s31+$0x6800];
	v1 =	vadd.f32 v4, v1  }
0x193: {  	v4 =	vld [tilespmem:s30+$0x5800]  }
0x194: {  	v7 =	vld [tilespmem:s30+$0x5A00];
	v1 =	vadd.f32 v2, v1  }
0x195: {  	v2 =	vld [tilespmem:s31+$0x6A00]  }
0x196: {  	v8 =	vld [tilespmem:s30+$0x5C00];
	v1 =	vadd.f32 v5, v1  }
0x197: {  	v5 =	vld [tilespmem:s31+$0x6C00]  }
0x198: {  	v4 =	vadd.f32 v4, v6;
	v6 =	vld [tilespmem:s30+$0x5E00];
	v1 =	vadd.f32 v3, v1  }
0x199: {  	v3 =	vld [tilespmem:s31+$0x6E00]  }
0x19a: {  	v4 =	vadd.f32 v7, v4;
	v7 =	vld [tilespmem:s30+$0x6000];
	v1 =	vadd.f32 v2, v1  }
0x19b: {  	v2 =	vld [tilespmem:s31+$0x7000]  }
0x19c: {  	v9 =	vld [tilespmem:s30+$0x6200];
	v4 =	vadd.f32 v8, v4;
	v1 =	vadd.f32 v5, v1  }
0x19d: {  	v8 =	vld [tilespmem:s31+$0x7200]  }
0x19e: {  	v5 =	vadd.f32 v6, v4;
	v4 =	vld [tilespmem:s30+$0x6400];
	v6 =	vadd.f32 v3, v1  }
0x19f: {  	v3 =	vld [tilespmem:s31+$0x7400]  }
0x1a0: {  	v1 =	vld [tilespmem:s30+$0x6800];
	v7 =	vadd.f32 v7, v5;
	v10 =	vadd.f32 v2, v6  }
0x1a1: {  	s0 =	simm.s32 $0x20;
	v5 =	vld [tilespmem:s30+$0x6600]  }
0x1a2: {  	s11 =	simm.s32 $0xC0;
	v2 =	vld [tilespmem:s0+$0x5600];
	v6 =	vadd.f32 v9, v7;
	v7 =	vadd.f32 v8, v10  }
.LBB2_34:
0x1a3: {  	p0 =	sne.s32 s11, $0x7C0;
	v8 =	vld [tilespmem:s0+$0x5800]  }
0x1a4: {  	v4 =	vadd.f32 v4, v6;
	v6 =	vld [tilespmem:s30+$0x6A00];
	v3 =	vadd.f32 v3, v7  }
0x1a5: {  	v7 =	vld [tilespmem:s0+$0x5A00]  }
0x1a6: {  	v4 =	vadd.f32 v5, v4;
	v5 =	vld [tilespmem:s30+$0x6C00];
	[tilespmem:s31+$0x3400] =	vst v3;
	s31 =	smov.u32 s30;
	s30 =	smov.u32 s0  }
0x1a7: {  	v3 =	vld [tilespmem:s30+$0x5C00]  }
0x1a8: {  	v2 =	vadd.f32 v8, v2;
	v1 =	vadd.f32 v1, v4;
	v4 =	vld [tilespmem:s31+$0x6E00]  }
0x1a9: {  	v8 =	vld [tilespmem:s30+$0x5E00]  }
0x1aa: {  	v2 =	vadd.f32 v7, v2;
	v1 =	vadd.f32 v6, v1;
	v6 =	vld [tilespmem:s31+$0x7000]  }
0x1ab: {  	v7 =	vld [tilespmem:s30+$0x6000]  }
0x1ac: {  	v2 =	vadd.f32 v3, v2;
	v1 =	vadd.f32 v5, v1;
	v9 =	vld [tilespmem:s31+$0x7200]  }
0x1ad: {  	v10 =	vld [tilespmem:s30+$0x6200]  }
.Ltmp16:
0x1ae: {  	v2 =	vadd.f32 v8, v2;
	v5 =	vadd.f32 v4, v1;
	v3 =	vld [tilespmem:s31+$0x7400];
	(pc) =	sbr.rel @p0 .LBB2_34-.Ltmp16, $4  }
0x1af: {  	v4 =	vld [tilespmem:s30+$0x6400]  }
0x1b0: {  	v7 =	vadd.f32 v7, v2;
	v1 =	vld [tilespmem:s30+$0x6800];
	v8 =	vadd.f32 v6, v5  }
0x1b1: {  	s0 =	sshra.s32 s11, $0x2;
	v5 =	vld [tilespmem:s30+$0x6600]  }
0x1b2: {  	s11 =	sadd.s32 $0x40, s11;
	v2 =	vld [tilespmem:s0+$0x5600];
	v6 =	vadd.f32 v10, v7;
	v7 =	vadd.f32 v9, v8  }
0x1b3: {  	v8 =	vld [tilespmem:s0+$0x5800]  }
0x1b4: {  	v9 =	vld [tilespmem:s30+$0x6A00];
	v3 =	vadd.f32 v3, v7  }
0x1b5: {  	v52 =	vld [tilespmem:s0+$0x5A00]  }
0x1b6: {  	v10 =	vld [tilespmem:s30+$0x6C00];
	v4 =	vadd.f32 v4, v6;
	[tilespmem:s31+$0x3400] =	vst v3  }
0x1b7: {  	v3 =	vld [tilespmem:s0+$0x5C00]  }
0x1b8: {  	v4 =	vadd.f32 v5, v4;
	v2 =	vadd.f32 v8, v2  }
0x1b9: {  	v53 =	vld [tilespmem:s0+$0x5E00]  }
0x1ba: {  	v54 =	vld [tilespmem:s30+$0x6E00];
	v1 =	vadd.f32 v1, v4;
	v2 =	vadd.f32 v52, v2  }
0x1bb: {  	v55 =	vld [tilespmem:s0+$0x6000]  }
0x1bc: {  	v56 =	vld [tilespmem:s30+$0x7000];
	v1 =	vadd.f32 v9, v1;
	v2 =	vadd.f32 v3, v2  }
0x1bd: {  	v3 =	vld [tilespmem:s0+$0x6200]  }
0x1be: {  	v57 =	vld [tilespmem:s30+$0x7200];
	v1 =	vadd.f32 v10, v1;
	v2 =	vadd.f32 v53, v2  }
0x1bf: {  	v58 =	vld [tilespmem:s0+$0x6400]  }
0x1c0: {  	v59 =	vld [tilespmem:s30+$0x7400];
	v1 =	vadd.f32 v54, v1;
	v2 =	vadd.f32 v55, v2  }
0x1c1: {  	v60 =	vld [tilespmem:s0+$0x6600]  }
0x1c2: {  	v1 =	vadd.f32 v56, v1;
	v2 =	vadd.f32 v3, v2  }
0x1c3: {  	v3 =	vld [tilespmem:s0+$0x6800]  }
0x1c4: {  	v1 =	vadd.f32 v57, v1;
	v2 =	vadd.f32 v58, v2  }
0x1c5: {  	v61 =	vld [tilespmem:s0+$0x6A00]  }
0x1c6: {  	v1 =	vadd.f32 v59, v1;
	v2 =	vadd.f32 v60, v2  }
0x1c7: {  	v62 =	vld [tilespmem:s0+$0x6C00]  }
0x1c8: {  	[tilespmem:s30+$0x3400] =	vst v1;
	v1 =	vadd.f32 v3, v2  }
0x1c9: {  	v2 =	vld [tilespmem:s0+$0x6E00]  }
0x1ca: {  	v1 =	vadd.f32 v61, v1  }
0x1cb: {  	v3 =	vld [tilespmem:s0+$0x7000]  }
0x1cc: {  	v1 =	vadd.f32 v62, v1  }
0x1cd: {  	v63 =	vld [tilespmem:s0+$0x7200]  }
0x1ce: {  	v1 =	vadd.f32 v2, v1  }
0x1cf: {  	v2 =	vld [tilespmem:s0+$0x7400]  }
0x1d0: {  	v1 =	vadd.f32 v3, v1;
	_ =	sdelay $0x1  }
0x1d1: {  	v1 =	vadd.f32 v63, v1;
	_ =	sdelay $0x1  }
0x1d2: {  	s29 =	sadd.s32 $0x1, s29;
	v1 =	vadd.f32 v2, v1  }
0x1d3: {  	p0 =	sne.s32 s29, s21  }
.Ltmp17:
0x1d4: {  	[tilespmem:s0+$0x3400] =	vst v1;
	(pc) =	sbr.rel @p0 .LBB2_1-.Ltmp17, $4  }
0x1d5: {  	[hbm4b:s20+s1] =	stream.linear.scatter [tilespmem:s28], [sflag:$0x2], $0x200, $0x38;
	[tilespmem:$0x7600] =	vst v63  }
0x1d6: {  	_ =	swait.ge [sflag:s24], $0x200  }
0x1d7: {  	[sflag:s24] =	ssyncset.done $0x0  }
0x1d8: {  	[sflag:s24] =	ssyncadd.s32 $0xFFFFFE00  }
0x1d9: {  	_ =	sfence.sel $0x180000  }
0x1da: {  	[bflag:$0x0] =	sbarrier.arrive $0xFFFF  }
0x1db: {  	_ =	strace $0x90000047  }
0x1dc: {  	s0 =	stileid.u32;
	[bflag:$0x2] =	sbarrier.arrive $0xFFFF  }
0x1dd: {  	p0 =	sne.s32 s0, $0x0;
	s0 =	rddreg [dreg:$0x1]  }
0x1de: {  	s0 =	sadd.s32 @!p0 $0x100000, s0  }
0x1df: {  	[sflag:s0] =	ssyncadd.tile.s32 @!p0 $0x1;
	_ =	shalt  }
.Lfunc_end2:
_tile_overlayer_lowered:
.L_overlay_start_2:
0x1e0: {  	(tag) =	ssettag $0x2  }
0x1e1: {  	s0 =	rddreg [dreg:$0x0];
	s2 =	stileid.u32  }
0x1e2: {  	s1 =	rddreg [dreg:$0x1];
	p0 =	sne.s32 s2, $0x0  }
0x1e3: {  	s3 =	rddreg [dreg:$0x2];
	[bflag:$0x3] =	sbarrier.arrive $0xFFFF;
	s2 =	simm.s32 @!p0 $0x1C02  }
0x1e4: {  	[timem:s3], [sflag:s2] =	dma.local @!p0 [hbm:s0], s1  }
0x1e5: {  	s0 =	simm.s32 @!p0 $0x2  }
0x1e6: {  	_ =	swait.ge @!p0 [sflag:s0], s1  }
0x1e7: {  	s1 =	ssub.s32 @!p0 $0x0, s1;
	[sflag:s0] =	ssyncset.done @!p0 $0x0  }
0x1e8: {  	[sflag:s0] =	ssyncadd.s32 @!p0 s1  }
0x1e9: {  	[bflag:$0x3] =	sbarrier.arrive $0xFFFF  }
0x1ea: {  	_ =	shalt  }

// kernel: kernel.8.cloned.1.call-start
scs
__scs_entry_jumppad:
0x0: {  	(pc) =	sbr.rel $0x88, $3  }
0x1: {  	(tag) =	ssettag $0x0;
	lr =	simm.s32 $0x1  }
0x2: {  	[smem:$0x3F9C] =	sst lr;
	_ =	strace $0xD0000000  }
0x3: {  	_ = 	snop  }
0x4: {  	_ = 	snop  }
0x5: {  	_ = 	snop  }
0x6: {  	_ = 	snop  }
0x7: {  	_ = 	snop  }
__scs_overlays_trampoline_lowered:
0x8: {  	[smem:$0x3FAB] =	sst s0  }
0x9: {  	[smem:$0x3FAC] =	sst s1  }
0xa: {  	[smem:$0x3FAD] =	sst s2  }
0xb: {  	[smem:$0x3FAE] =	sst s3  }
0xc: {  	[smem:$0x3FAF] =	sst s4  }
0xd: {  	[smem:$0x3FB0] =	sst s5  }
0xe: {  	[smem:$0x3FB1] =	sst s6  }
0xf: {  	[smem:$0x3FB2] =	sst s7  }
0x10: {  	[smem:$0x3FB3] =	sst s8  }
0x11: {  	[smem:$0x3FB4] =	sst s9;
	s0 =	simm.s32 @!p0 $0x0  }
0x12: {  	s1 =	sld [smem:$0x3F9A];
	s0 =	simm.s32 @p0 $0x1  }
0x13: {  	[smem:$0x3FB5] =	sst s0;
	s0 =	simm.s32 @!p1 $0x0  }
0x14: {  	s2 =	sld [smem:$0x3F99];
	s0 =	simm.s32 @p1 $0x1  }
0x15: {  	[smem:$0x3FB6] =	sst s0;
	s0 =	simm.s32 @!p2 $0x0  }
0x16: {  	s3 =	sld [smem:$0x3FDB];
	s0 =	simm.s32 @p2 $0x1  }
0x17: {  	s4 =	simm.s32 $0x1BF5;
	[smem:$0x3FB8] =	sst s0  }
0x18: {  	s0 =	sld [smem:$0x3F9B];
	_ =	swait.ge [sflag:s4], $0x0  }
0x19: {  	s7 =	sld [smem:$0x3F9C]  }
0x1a: {  	s8 =	sadd.s32 $0xFFFFE003, lr  }
0x1b: {  	s9 =	sadd.s32 $0xFFFFFEF7, lr;
	s5 =	simm.s32 $0xFFFFFFFF;
	p2 =	slt.u32 s8, $0xFFFFF086  }
0x1c: {  	p1 =	slt.u32 s9, $0xF7A;
	s5 =	simm.s32 @!p2 $0x0  }
0x1d: {  	s5 =	simm.s32 @p1 $0x1;
	p0 =	seq.s32 s7, s2  }
0x1e: {  	s7 =	smul.u32 @!p0 $0xF7A, s2;
	p2 =	seq.s32 @!p0 s5, $0x0  }
0x1f: {  	s9 =	smul.u32 $0xF7A, s1;
	s8 =	simm.s32 @!p0 $0x1BF5;
	p2 =	por !p2, p0  }
0x20: {  	[sflag:s8] =	ssyncset.s32 @!p0 $0xFFFFF086;
	s6 =	sadd.s32 @!p0 s3, s7;
	s7 =	simm.s32 @!p0 $0x108  }
0x21: {  	s3 =	sadd.s32 s3, s9;
	s6 =	sadd.s32 @!p0 $0x88, s6;
	s7 =	simm.s32 @p2 $0x1082  }
0x22: {  	[simem:s7], [sflag:s8] =	dma.local @!p0 [hbm:s6], $0xF7A  }
0x23: {  	s9 =	sor.u32 $0xD0000000, s2;
	s6 =	simm.s32 $0x108;
	_ =	swait.ge @!p0 [sflag:s8], $0x0  }
0x24: {  	s3 =	sadd.s32 $0x88, s3;
	s6 =	simm.s32 @!p1 $0x1082;
	[sflag:s4] =	ssyncset.s32 $0xFFFFF086  }
0x25: {  	[simem:s6], [sflag:s4] =	dma.local [hbm:s3], $0xF7A  }
0x26: {  	[smem:$0x3F9C] =	sst s1;
	(tag) =	ssettag s2;
	_ =	strace s9  }
0x27: {  	s1 =	sld [smem:$0x3FAC]  }
0x28: {  	s2 =	sld [smem:$0x3FAD]  }
0x29: {  	s4 =	sld [smem:$0x3FAF]  }
0x2a: {  	p0 =	seq.s32 s5, $0x0;
	s5 =	sld [smem:$0x3FB0]  }
0x2b: {  	s6 =	sld [smem:$0x3FB1]  }
0x2c: {  	s7 =	sld [smem:$0x3FB2]  }
0x2d: {  	s3 =	simm.s32 $0x108;
	s8 =	sld [smem:$0x3FB3]  }
0x2e: {  	s3 =	simm.s32 @!p0 $0x1082;
	s9 =	sld [smem:$0x3FB4]  }
0x2f: {  	lr =	sadd.s32 s0, s3;
	s0 =	sld [smem:$0x3FAB]  }
0x30: {  	s3 =	sld [smem:$0x3FAE]  }
0x31: {  	[smem:$0x3FB7] =	sst s10  }
0x32: {  	s10 =	sld [smem:$0x3FB5];
	_ =	sdelay $0x3  }
0x33: {  	p0 =	seq.s32 s10, $0x1;
	s10 =	sld [smem:$0x3FB7];
	_ =	sdelay $0x3  }
0x34: {  	[smem:$0x3FB7] =	sst s10  }
0x35: {  	s10 =	sld [smem:$0x3FB6];
	_ =	sdelay $0x3  }
0x36: {  	p1 =	seq.s32 s10, $0x1;
	s10 =	sld [smem:$0x3FB7];
	_ =	sdelay $0x3  }
0x37: {  	[smem:$0x3FB7] =	sst s10  }
0x38: {  	s10 =	sld [smem:$0x3FB8]  }
0x39: {  	_ = 	snop;
	(pc) =	sbr.ind lr, $3  }
0x3a: {  	_ = 	snop  }
0x3b: {  	_ = 	snop  }
0x3c: {  	p2 =	seq.s32 s10, $0x1;
	s10 =	sld [smem:$0x3FB7]  }
0x3d: {  	_ =	shalt  }
0x3e: {  	_ =	shalt  }
0x3f: {  	_ =	shalt  }
0x40: {  	_ =	shalt  }
0x41: {  	_ =	shalt  }
0x42: {  	_ =	shalt  }
0x43: {  	_ =	shalt  }
0x44: {  	_ =	shalt  }
0x45: {  	_ =	shalt  }
0x46: {  	_ =	shalt  }
0x47: {  	_ =	shalt  }
0x48: {  	_ =	shalt  }
0x49: {  	_ =	shalt  }
0x4a: {  	_ =	shalt  }
0x4b: {  	_ =	shalt  }
0x4c: {  	_ =	shalt  }
0x4d: {  	_ =	shalt  }
0x4e: {  	_ =	shalt  }
0x4f: {  	_ =	shalt  }
0x50: {  	_ =	shalt  }
0x51: {  	_ =	shalt  }
0x52: {  	_ =	shalt  }
0x53: {  	_ =	shalt  }
0x54: {  	_ =	shalt  }
0x55: {  	_ =	shalt  }
0x56: {  	_ =	shalt  }
0x57: {  	_ =	shalt  }
0x58: {  	_ =	shalt  }
0x59: {  	_ =	shalt  }
0x5a: {  	_ =	shalt  }
0x5b: {  	_ =	shalt  }
0x5c: {  	_ =	shalt  }
0x5d: {  	_ =	shalt  }
0x5e: {  	_ =	shalt  }
0x5f: {  	_ =	shalt  }
0x60: {  	_ =	shalt  }
0x61: {  	_ =	shalt  }
0x62: {  	_ =	shalt  }
0x63: {  	_ =	shalt  }
0x64: {  	_ =	shalt  }
0x65: {  	_ =	shalt  }
0x66: {  	_ =	shalt  }
0x67: {  	_ =	shalt  }
0x68: {  	_ =	shalt  }
0x69: {  	_ =	shalt  }
0x6a: {  	_ =	shalt  }
0x6b: {  	_ =	shalt  }
0x6c: {  	_ =	shalt  }
0x6d: {  	_ =	shalt  }
0x6e: {  	_ =	shalt  }
0x6f: {  	_ =	shalt  }
0x70: {  	_ =	shalt  }
0x71: {  	_ =	shalt  }
0x72: {  	_ =	shalt  }
0x73: {  	_ =	shalt  }
0x74: {  	_ =	shalt  }
0x75: {  	_ =	shalt  }
0x76: {  	_ =	shalt  }
0x77: {  	_ =	shalt  }
0x78: {  	_ =	shalt  }
0x79: {  	_ =	shalt  }
0x7a: {  	_ =	shalt  }
0x7b: {  	_ =	shalt  }
0x7c: {  	_ =	shalt  }
0x7d: {  	_ =	shalt  }
0x7e: {  	_ =	shalt  }
0x7f: {  	_ =	shalt  }
0x80: {  	_ =	shalt  }
0x81: {  	_ =	shalt  }
0x82: {  	_ =	shalt  }
0x83: {  	_ =	shalt  }
0x84: {  	_ =	shalt  }
0x85: {  	_ =	shalt  }
0x86: {  	_ =	shalt  }
0x87: {  	_ =	shalt  }
.Lfunc_end0:
.L_simem_size_0:
called_computation.1_lowered:
.L_overlay_start_0:
0x88: {  	s2 =	sld [smem:$0x3FD9]  }
0x89: {  	s3 =	sld [smem:$0x3FFE];
	_ =	sdelay $0x1  }
0x8a: {  	s1 =	srdreg.scid  }
0x8b: {  	s0 =	sand.u32 $0x1, s1  }
0x8c: {  	s17 =	sshll.u32 s0, $0xA;
	s2 =	sadd.s32 s3, s2  }
0x8d: {  	s2 =	sadd.s32 s2, s17  }
0x8e: {  	[smem:$0x3FC3] =	sst s2  }
0x8f: {  	_ = 	snop  }
0x90: {  	s2 =	sld [smem:$0x3FD0];
	(tm) =	ssettm $0x1  }
0x91: {  	s18 =	sld [smem:$0x3FFB];
	_ =	sdelay $0x3  }
0x92: {  	_ =	strace s18  }
0x93: {  	s3 =	sld [smem:$0x3FFC];
	_ =	sdelay $0x3  }
0x94: {  	_ =	strace s3  }
0x95: {  	s3 =	sld [smem:$0x3FFD];
	_ =	sdelay $0x3  }
0x96: {  	_ =	strace s3  }
0x97: {  	_ =	strace $0x8FFFFFFF  }
0x98: {  	s19 =	sld [smem:$0x3FDB];
	_ =	sdelay $0x1  }
0x99: {  	s4 =	simm.s32 $_scs_section_size  }
0x9a: {  	s5 =	simm.s32 $_size__tile_overlayer_lowered;
	s6 =	simm.s32 $_tile_overlayer_lowered  }
0x9b: {  	s22 =	simm.s32 $0x1BFF;
	s21 =	sshll.u32 s6, $0x1;
	s3 =	sadd.s32 s4, s19  }
0x9c: {  	s7 =	simm.s32 $0x0;
	s20 =	sshll.u32 s5, $0x1;
	s5 =	sadd.s32 s21, s3  }
0x9d: {  	[timem:s7], [sflag:s22] =	dma.local [hbm:s5], s20  }
0x9e: {  	_ =	swait.ge [sflag:s22], s20  }
0x9f: {  	s4 =	ssub.s32 $0x0, s20;
	[sflag:s22] =	ssyncset.done $0x0  }
0xa0: {  	[sflag:s22] =	ssyncadd.s32 s4;
	_ =	sdelay $0x1  }
0xa1: {  	s23 =	simm.s32 $0x1B8B  }
0xa2: {  	_ =	swait.ge [sflag:s23], $0x1  }
0xa3: {  	[sflag:s23] =	ssyncset.done $0x0  }
0xa4: {  	s25 =	simm.s32 $0x1B8E;
	s24 =	sld [smem:$0x3FFE];
	[sflag:s23] =	ssyncadd.s32 $0xFFFFFFFF  }
0xa5: {  	s26 =	simm.s32 $execute0_lowered;
	[smem:$0x3FD2] =	sst s25  }
0xa6: {  	s5 =	sshll.u32 s26, $0x1;
	_ =	strace $0x80000049;
	[dreg:$0x1] =	wrdreg $0xFFFFFFFF  }
0xa7: {  	s28 =	simm.s32 $_size_execute0_lowered;
	s3 =	sadd.s32 s3, s5;
	[dreg:$0x0] =	wrdreg $0x0  }
0xa8: {  	s5 =	sshll.u32 s28, $0x1;
	[dreg:$0x2] =	wrdreg s3  }
0xa9: {  	[dreg:$0x3] =	wrdreg s5  }
0xaa: {  	[dreg:$0x4] =	wrdreg $0xC0  }
0xab: {  	_ =	task [dreg:s7], $0x5FFFF  }
0xac: {  	[dreg:$0x1] =	wrdreg $0xFFFFFFFF  }
0xad: {  	[dreg:$0x0] =	wrdreg $0x60  }
0xae: {  	[dreg:$0x2] =	wrdreg s24  }
0xaf: {  	[dreg:$0x3] =	wrdreg s2  }
0xb0: {  	[dreg:$0x4] =	wrdreg $0x9  }
0xb1: {  	_ =	task.clear_ibuf [dreg:s7], $0x5FFFF;
	_ =	strace $0x90000049  }
0xb2: {  	s29 =	simm.s32 $0x9;
	_ =	strace $0x8000004B  }
0xb3: {  	_ =	swait.ge [sflag:s29], $0x1  }
0xb4: {  	[sflag:s29] =	ssyncadd.s32 $0xFFFFFFFF  }
0xb5: {  	_ =	strace $0x9000004B  }
0xb6: {  	_ =	sfence  }
0xb7: {  	s30 =	sld [smem:$0x0];
	_ =	sdelay $0x2  }
0xb8: {  	s31 =	sshll.u32 s1, $0xD;
	s1 =	sshrl.u32 s1, $0x2  }
0xb9: {  	s3 =	sand.u32 $0x4000, s31;
	s1 =	sadd.s32 s1, s30  }
0xba: {  	s0 =	sor.u32 s3, s0;
	s1 =	sshll.u32 s1, $0x11  }
0xbb: {  	s0 =	sor.u32 s1, s0  }
0xbc: {  	s0 =	sadd.s32 $0x8F2B, s0  }
0xbd: {  	[sflag:s0] =	ssyncadd.remote.s32 $0x1  }
0xbe: {  	_ =	sfence.sel $0xFFFF  }
0xbf: {  	[dreg:$0x0] =	wrdreg $0xFFFFFFFF;
	(pc) =	sbr.abs _section_cstart, $3  }
0xc0: {  	[dreg:$0x1] =	wrdreg $0xFFFFFFFF  }
0xc1: {  	_ =	task.clear_ibuf [dreg:s7], $0x2FFFF;
	_ =	strace $0x9FFFFFFF  }
0xc2: {  	(tm) =	ssettm $0x7FFFFFFF  }
0xc3: {  	_ =	shalt  }
tec
execute0_lowered:
.L_overlay_start_1:
0x0: {  	(tag) =	ssettag $0x1  }
0x1: {  	s0 =	rddreg [dreg:$0x0]  }
0x2: {  	s1 =	rddreg [dreg:$0x1]  }
0x3: {  	s3 =	srdreg.scid;
	s7 =	stileid.u32;
	s2 =	simm.s32 $0x0  }
0x4: {  	s20 =	simm.s32 $0x2;
	s23 =	simm.s32 $0x200;
	s24 =	simm.s32 $0x3A00  }
0x5: {  	s28 =	simm.s32 $0x5C00;
	s29 =	simm.s32 $0x4A00;
	s30 =	simm.s32 $0x5E00  }
0x6: {  	s31 =	simm.s32 $0x4C00;
	s19 =	simm.s32 $0x0;
	s11 =	sand.u32 $0x1, s3  }
0x7: {  	s25 =	sshll.u32 s7, $0x1;
	[smem:$0x7FF] =	sst s2;
	s3 =	sadd.s32 $0x5C200, s0  }
0x8: {  	s4 =	sadd.s32 $0x59000, s0;
	s5 =	sadd.s32 $0x55E00, s0;
	s6 =	sadd.s32 $0x52C00, s0  }
0x9: {  	s9 =	sshrl.u32 s7, $0x2;
	s7 =	sadd.s32 $0x4FA00, s0;
	s8 =	sor.u32 s11, s25  }
0xa: {  	_ =	strace $0x8000004A;
	s12 =	smul.u32 $0x1A000, s9;
	s9 =	sadd.s32 $0x49600, s0  }
0xb: {  	s14 =	ssub.s32 $0x2, s11;
	s11 =	sadd.s32 $0x43200, s0;
	s16 =	sshll.u32 s8, $0x6  }
0xc: {  	s10 =	sshll.u32 s8, $0x7;
	s8 =	sadd.s32 $0x4C800, s0;
	s26 =	sshrl.u32 s14, $0x1  }
0xd: {  	s15 =	sadd.s32 s16, s0;
	s13 =	sand.u32 $0x380, s10;
	s10 =	sadd.s32 $0x46400, s0  }
0xe: {  	s18 =	ssub.s32 s14, s26;
	s16 =	sadd.s32 s1, s16;
	s12 =	sor.u32 s12, s13  }
0xf: {  	s1 =	simm.s32 $0x1;
	s14 =	sadd.s32 $0x3F000, s15;
	s17 =	sshrl.u32 s12, $0x3  }
0x10: {  	v0 =	vlaneseq.u32;
	s15 =	sadd.s32 $0x3F800, s15;
	s12 =	sadd.s32 $0x40000, s0;
	s13 =	sadd.s32 s0, s17  }
0x11: {  	v0 =	vmul.u32 $0x1A, v0;
	s17 =	smax.u32 s18, $0x1;
	s0 =	simm.s32 $0x6000;
	s18 =	simm.s32 $0x3800  }
.LBB2_1:
0x12: {  	s21 =	simm.s32 $0x80;
	s22 =	simm.s32 $0x400  }
0x13: {  	[tilespmem:s2], [sflag:$0x2] =	stream.strided.gather [hbm4b:s13+s21], $0x3400, s22, s21, $0x38;
	[tilespmem:$0x6200] =	vst v63  }
0x14: {  	_ =	swait.ge [sflag:s20], $0x3400  }
0x15: {  	[sflag:s20] =	ssyncset.done $0x0  }
0x16: {  	s25 =	simm.s32 $0x3400;
	[sflag:s20] =	ssyncadd.s32 $0xFFFFCC00  }
0x17: {  	[tilespmem:s25], [sflag:$0x2] =	stream.linear.gather [hbm4b:s14+s2], $0x200, $0x38;
	[tilespmem:$0x6200] =	vst v63  }
0x18: {  	_ =	swait.ge [sflag:s20], $0x200  }
0x19: {  	s26 =	simm.s32 $0x10;
	[sflag:s20] =	ssyncset.done $0x0  }
0x1a: {  	v1 =	vadd.s32 s26, v0;
	s22 =	simm.s32 $0x3600;
	[sflag:s20] =	ssyncadd.s32 $0xFFFFFE00  }
0x1b: {  	[tilespmem:s22], [sflag:$0x2] =	stream.linear.gather [hbm4b:s15+s2], $0x200, $0x38;
	[tilespmem:$0x6200] =	vst v63  }
0x1c: {  	_ =	swait.ge [sflag:s20], $0x200  }
0x1d: {  	[sflag:s20] =	ssyncset.done $0x0  }
0x1e: {  	[sflag:s20] =	ssyncadd.s32 $0xFFFFFE00  }
0x1f: {  	s25 =	simm.s32 $0x1B0;
	v1 =	vld.idx.msk [tilespmem:v1+s2+$0x0], $0xffff  }
0x20: {  	v2 =	vadd.s32 s25, v0;
	_ =	sdelay $0x3  }
0x21: {  	[tilespmem:s24+$0x0] =	vst v1  }
0x22: {  	s26 =	simm.s32 $0x350;
	v1 =	vld.idx.msk [tilespmem:v2+s2+$0x0], $0xffff  }
0x23: {  	s21 =	simm.s32 $0x3A00;
	s22 =	simm.s32 $0x4F0;
	v2 =	vadd.s32 s26, v0  }
.LBB2_2:
0x24: {  	p0 =	sne.s32 s22, $0x3270;
	_ =	sdelay $0x1  }
.Ltmp0:
0x25: {  	s21 =	sadd.s32 $0x10, s21;
	(pc) =	sbr.rel @p0 .LBB2_2-.Ltmp0, $3  }
0x26: {  	[tilespmem:s21+$0x0] =	vst v1  }
0x27: {  	v1 =	vld.idx.msk [tilespmem:v2+s2+$0x0], $0xffff;
	_ =	sdelay $0x1  }
0x28: {  	v2 =	vadd.s32 s22, v0;
	s22 =	sadd.s32 $0x1A0, s22  }
0x29: {  	_ =	sdelay $0x1  }
0x2a: {  	s21 =	sadd.s32 $0x10, s21  }
0x2b: {  	[tilespmem:s21+$0x0] =	vst v1  }
0x2c: {  	v1 =	vld.idx.msk [tilespmem:v2+s2+$0x0], $0xffff  }
0x2d: {  	s22 =	simm.s32 $0x11  }
0x2e: {  	v2 =	vadd.s32 s22, v0;
	_ =	sdelay $0x1  }
0x2f: {  	s21 =	sadd.s32 $0x10, s21  }
0x30: {  	s22 =	simm.s32 $0x4E00;
	[tilespmem:s21+$0x0] =	vst v1  }
0x31: {  	[tilespmem:s22], [sflag:$0x1] =	stream.indirect.gather [hbm4b:s3+s23], $0x1, s24, s23, $0xb8;
	[tilespmem:$0x6200] =	vst v63  }
0x32: {  	s25 =	simm.s32 $0x1B1;
	v1 =	vld.idx.msk [tilespmem:v2+s2+$0x0], $0xffff  }
0x33: {  	v2 =	vadd.s32 s25, v0;
	_ =	sdelay $0x2  }
0x34: {  	s21 =	simm.s32 $0x3C00  }
0x35: {  	[tilespmem:s21+$0x0] =	vst v1  }
0x36: {  	s26 =	simm.s32 $0x351;
	v1 =	vld.idx.msk [tilespmem:v2+s2+$0x0], $0xffff  }
0x37: {  	s22 =	simm.s32 $0x4F1;
	v2 =	vadd.s32 s26, v0  }
.LBB2_4:
0x38: {  	p0 =	sne.s32 s22, $0x3271;
	_ =	sdelay $0x1  }
.Ltmp1:
0x39: {  	s21 =	sadd.s32 $0x10, s21;
	(pc) =	sbr.rel @p0 .LBB2_4-.Ltmp1, $3  }
0x3a: {  	[tilespmem:s21+$0x0] =	vst v1  }
0x3b: {  	v1 =	vld.idx.msk [tilespmem:v2+s2+$0x0], $0xffff;
	_ =	sdelay $0x1  }
0x3c: {  	v2 =	vadd.s32 s22, v0;
	s22 =	sadd.s32 $0x1A0, s22  }
0x3d: {  	_ =	sdelay $0x1  }
0x3e: {  	s21 =	sadd.s32 $0x10, s21  }
0x3f: {  	[tilespmem:s21+$0x0] =	vst v1  }
0x40: {  	v1 =	vld.idx.msk [tilespmem:v2+s2+$0x0], $0xffff  }
0x41: {  	s22 =	simm.s32 $0x12  }
0x42: {  	v2 =	vadd.s32 s22, v0;
	_ =	sdelay $0x1  }
0x43: {  	s21 =	sadd.s32 $0x10, s21  }
0x44: {  	s25 =	simm.s32 $0x3C00;
	s26 =	simm.s32 $0x5000;
	[tilespmem:s21+$0x0] =	vst v1  }
0x45: {  	[tilespmem:s26], [sflag:$0x1] =	stream.indirect.gather [hbm4b:s4+s23], $0x1, s25, s23, $0xb8;
	[tilespmem:$0x6200] =	vst v63  }
0x46: {  	s25 =	simm.s32 $0x1B2;
	v1 =	vld.idx.msk [tilespmem:v2+s2+$0x0], $0xffff  }
0x47: {  	v2 =	vadd.s32 s25, v0;
	_ =	sdelay $0x2  }
0x48: {  	s21 =	simm.s32 $0x3E00  }
0x49: {  	[tilespmem:s21+$0x0] =	vst v1  }
0x4a: {  	s26 =	simm.s32 $0x352;
	v1 =	vld.idx.msk [tilespmem:v2+s2+$0x0], $0xffff  }
0x4b: {  	s22 =	simm.s32 $0x4F2;
	v2 =	vadd.s32 s26, v0  }
.LBB2_6:
0x4c: {  	p0 =	sne.s32 s22, $0x3272;
	_ =	sdelay $0x1  }
.Ltmp2:
0x4d: {  	s21 =	sadd.s32 $0x10, s21;
	(pc) =	sbr.rel @p0 .LBB2_6-.Ltmp2, $3  }
0x4e: {  	[tilespmem:s21+$0x0] =	vst v1  }
0x4f: {  	v1 =	vld.idx.msk [tilespmem:v2+s2+$0x0], $0xffff;
	_ =	sdelay $0x1  }
0x50: {  	v2 =	vadd.s32 s22, v0;
	s22 =	sadd.s32 $0x1A0, s22  }
0x51: {  	_ =	sdelay $0x1  }
0x52: {  	s21 =	sadd.s32 $0x10, s21  }
0x53: {  	[tilespmem:s21+$0x0] =	vst v1  }
0x54: {  	v1 =	vld.idx.msk [tilespmem:v2+s2+$0x0], $0xffff  }
0x55: {  	s22 =	simm.s32 $0x13  }
0x56: {  	v2 =	vadd.s32 s22, v0;
	_ =	sdelay $0x1  }
0x57: {  	s21 =	sadd.s32 $0x10, s21  }
0x58: {  	s25 =	simm.s32 $0x3E00;
	s26 =	simm.s32 $0x5200;
	[tilespmem:s21+$0x0] =	vst v1  }
0x59: {  	[tilespmem:s26], [sflag:$0x1] =	stream.indirect.gather [hbm4b:s5+s23], $0x1, s25, s23, $0xb8;
	[tilespmem:$0x6200] =	vst v63  }
0x5a: {  	s25 =	simm.s32 $0x1B3;
	v1 =	vld.idx.msk [tilespmem:v2+s2+$0x0], $0xffff  }
0x5b: {  	v2 =	vadd.s32 s25, v0;
	_ =	sdelay $0x2  }
0x5c: {  	s21 =	simm.s32 $0x4000  }
0x5d: {  	[tilespmem:s21+$0x0] =	vst v1  }
0x5e: {  	s26 =	simm.s32 $0x353;
	v1 =	vld.idx.msk [tilespmem:v2+s2+$0x0], $0xffff  }
0x5f: {  	s22 =	simm.s32 $0x4F3;
	v2 =	vadd.s32 s26, v0  }
.LBB2_8:
0x60: {  	p0 =	sne.s32 s22, $0x3273;
	_ =	sdelay $0x1  }
.Ltmp3:
0x61: {  	s21 =	sadd.s32 $0x10, s21;
	(pc) =	sbr.rel @p0 .LBB2_8-.Ltmp3, $3  }
0x62: {  	[tilespmem:s21+$0x0] =	vst v1  }
0x63: {  	v1 =	vld.idx.msk [tilespmem:v2+s2+$0x0], $0xffff;
	_ =	sdelay $0x1  }
0x64: {  	v2 =	vadd.s32 s22, v0;
	s22 =	sadd.s32 $0x1A0, s22  }
0x65: {  	_ =	sdelay $0x1  }
0x66: {  	s21 =	sadd.s32 $0x10, s21  }
0x67: {  	[tilespmem:s21+$0x0] =	vst v1  }
0x68: {  	v1 =	vld.idx.msk [tilespmem:v2+s2+$0x0], $0xffff  }
0x69: {  	s22 =	simm.s32 $0x14  }
0x6a: {  	v2 =	vadd.s32 s22, v0;
	_ =	sdelay $0x1  }
0x6b: {  	s21 =	sadd.s32 $0x10, s21  }
0x6c: {  	s25 =	simm.s32 $0x4000;
	s26 =	simm.s32 $0x5400;
	[tilespmem:s21+$0x0] =	vst v1  }
0x6d: {  	[tilespmem:s26], [sflag:$0x1] =	stream.indirect.gather [hbm4b:s6+s23], $0x1, s25, s23, $0xb8;
	[tilespmem:$0x6200] =	vst v63  }
0x6e: {  	s25 =	simm.s32 $0x1B4;
	v1 =	vld.idx.msk [tilespmem:v2+s2+$0x0], $0xffff  }
0x6f: {  	v2 =	vadd.s32 s25, v0;
	_ =	sdelay $0x2  }
0x70: {  	s21 =	simm.s32 $0x4200  }
0x71: {  	[tilespmem:s21+$0x0] =	vst v1  }
0x72: {  	s26 =	simm.s32 $0x354;
	v1 =	vld.idx.msk [tilespmem:v2+s2+$0x0], $0xffff  }
0x73: {  	s22 =	simm.s32 $0x4F4;
	v2 =	vadd.s32 s26, v0  }
.LBB2_10:
0x74: {  	p0 =	sne.s32 s22, $0x3274;
	_ =	sdelay $0x1  }
.Ltmp4:
0x75: {  	s21 =	sadd.s32 $0x10, s21;
	(pc) =	sbr.rel @p0 .LBB2_10-.Ltmp4, $3  }
0x76: {  	[tilespmem:s21+$0x0] =	vst v1  }
0x77: {  	v1 =	vld.idx.msk [tilespmem:v2+s2+$0x0], $0xffff;
	_ =	sdelay $0x1  }
0x78: {  	v2 =	vadd.s32 s22, v0;
	s22 =	sadd.s32 $0x1A0, s22  }
0x79: {  	_ =	sdelay $0x1  }
0x7a: {  	s21 =	sadd.s32 $0x10, s21  }
0x7b: {  	[tilespmem:s21+$0x0] =	vst v1  }
0x7c: {  	v1 =	vld.idx.msk [tilespmem:v2+s2+$0x0], $0xffff  }
0x7d: {  	s22 =	simm.s32 $0x15  }
0x7e: {  	v2 =	vadd.s32 s22, v0;
	_ =	sdelay $0x1  }
0x7f: {  	s21 =	sadd.s32 $0x10, s21  }
0x80: {  	s25 =	simm.s32 $0x4200;
	s26 =	simm.s32 $0x5600;
	[tilespmem:s21+$0x0] =	vst v1  }
0x81: {  	[tilespmem:s26], [sflag:$0x1] =	stream.indirect.gather [hbm4b:s7+s23], $0x1, s25, s23, $0xb8;
	[tilespmem:$0x6200] =	vst v63  }
0x82: {  	s25 =	simm.s32 $0x1B5;
	v1 =	vld.idx.msk [tilespmem:v2+s2+$0x0], $0xffff  }
0x83: {  	v2 =	vadd.s32 s25, v0;
	_ =	sdelay $0x2  }
0x84: {  	s21 =	simm.s32 $0x4400  }
0x85: {  	[tilespmem:s21+$0x0] =	vst v1  }
0x86: {  	s26 =	simm.s32 $0x355;
	v1 =	vld.idx.msk [tilespmem:v2+s2+$0x0], $0xffff  }
0x87: {  	s22 =	simm.s32 $0x4F5;
	v2 =	vadd.s32 s26, v0  }
.LBB2_12:
0x88: {  	p0 =	sne.s32 s22, $0x3275;
	_ =	sdelay $0x1  }
.Ltmp5:
0x89: {  	s21 =	sadd.s32 $0x10, s21;
	(pc) =	sbr.rel @p0 .LBB2_12-.Ltmp5, $3  }
0x8a: {  	[tilespmem:s21+$0x0] =	vst v1  }
0x8b: {  	v1 =	vld.idx.msk [tilespmem:v2+s2+$0x0], $0xffff;
	_ =	sdelay $0x1  }
0x8c: {  	v2 =	vadd.s32 s22, v0;
	s22 =	sadd.s32 $0x1A0, s22  }
0x8d: {  	_ =	sdelay $0x1  }
0x8e: {  	s21 =	sadd.s32 $0x10, s21  }
0x8f: {  	[tilespmem:s21+$0x0] =	vst v1  }
0x90: {  	v1 =	vld.idx.msk [tilespmem:v2+s2+$0x0], $0xffff  }
0x91: {  	s22 =	simm.s32 $0x16  }
0x92: {  	v2 =	vadd.s32 s22, v0;
	_ =	sdelay $0x1  }
0x93: {  	s21 =	sadd.s32 $0x10, s21  }
0x94: {  	s25 =	simm.s32 $0x4400;
	s26 =	simm.s32 $0x5800;
	[tilespmem:s21+$0x0] =	vst v1  }
0x95: {  	[tilespmem:s26], [sflag:$0x1] =	stream.indirect.gather [hbm4b:s8+s23], $0x1, s25, s23, $0xb8;
	[tilespmem:$0x6200] =	vst v63  }
0x96: {  	s25 =	simm.s32 $0x1B6;
	v1 =	vld.idx.msk [tilespmem:v2+s2+$0x0], $0xffff  }
0x97: {  	v2 =	vadd.s32 s25, v0;
	_ =	sdelay $0x2  }
0x98: {  	s21 =	simm.s32 $0x4600  }
0x99: {  	[tilespmem:s21+$0x0] =	vst v1  }
0x9a: {  	s26 =	simm.s32 $0x356;
	v1 =	vld.idx.msk [tilespmem:v2+s2+$0x0], $0xffff  }
0x9b: {  	s22 =	simm.s32 $0x4F6;
	v2 =	vadd.s32 s26, v0  }
.LBB2_14:
0x9c: {  	p0 =	sne.s32 s22, $0x3276;
	_ =	sdelay $0x1  }
.Ltmp6:
0x9d: {  	s21 =	sadd.s32 $0x10, s21;
	(pc) =	sbr.rel @p0 .LBB2_14-.Ltmp6, $3  }
0x9e: {  	[tilespmem:s21+$0x0] =	vst v1  }
0x9f: {  	v1 =	vld.idx.msk [tilespmem:v2+s2+$0x0], $0xffff;
	_ =	sdelay $0x1  }
0xa0: {  	v2 =	vadd.s32 s22, v0;
	s22 =	sadd.s32 $0x1A0, s22  }
0xa1: {  	_ =	sdelay $0x1  }
0xa2: {  	s21 =	sadd.s32 $0x10, s21  }
0xa3: {  	[tilespmem:s21+$0x0] =	vst v1  }
0xa4: {  	v1 =	vld.idx.msk [tilespmem:v2+s2+$0x0], $0xffff  }
0xa5: {  	s22 =	simm.s32 $0x17  }
0xa6: {  	v2 =	vadd.s32 s22, v0;
	_ =	sdelay $0x1  }
0xa7: {  	s21 =	sadd.s32 $0x10, s21  }
0xa8: {  	s25 =	simm.s32 $0x4600;
	s26 =	simm.s32 $0x5A00;
	[tilespmem:s21+$0x0] =	vst v1  }
0xa9: {  	[tilespmem:s26], [sflag:$0x1] =	stream.indirect.gather [hbm4b:s9+s23], $0x1, s25, s23, $0xb8;
	[tilespmem:$0x6200] =	vst v63  }
0xaa: {  	s25 =	simm.s32 $0x1B7;
	v1 =	vld.idx.msk [tilespmem:v2+s2+$0x0], $0xffff  }
0xab: {  	v2 =	vadd.s32 s25, v0;
	_ =	sdelay $0x2  }
0xac: {  	s21 =	simm.s32 $0x4800  }
0xad: {  	[tilespmem:s21+$0x0] =	vst v1  }
0xae: {  	s26 =	simm.s32 $0x357;
	v1 =	vld.idx.msk [tilespmem:v2+s2+$0x0], $0xffff  }
0xaf: {  	s22 =	simm.s32 $0x4F7;
	v2 =	vadd.s32 s26, v0  }
.LBB2_16:
0xb0: {  	p0 =	sne.s32 s22, $0x3277;
	_ =	sdelay $0x1  }
.Ltmp7:
0xb1: {  	s21 =	sadd.s32 $0x10, s21;
	(pc) =	sbr.rel @p0 .LBB2_16-.Ltmp7, $3  }
0xb2: {  	[tilespmem:s21+$0x0] =	vst v1  }
0xb3: {  	v1 =	vld.idx.msk [tilespmem:v2+s2+$0x0], $0xffff;
	_ =	sdelay $0x1  }
0xb4: {  	v2 =	vadd.s32 s22, v0;
	s22 =	sadd.s32 $0x1A0, s22  }
0xb5: {  	_ =	sdelay $0x1  }
0xb6: {  	s21 =	sadd.s32 $0x10, s21  }
0xb7: {  	[tilespmem:s21+$0x0] =	vst v1  }
0xb8: {  	v1 =	vld.idx.msk [tilespmem:v2+s2+$0x0], $0xffff  }
0xb9: {  	s22 =	simm.s32 $0x18  }
0xba: {  	v2 =	vadd.s32 s22, v0;
	_ =	sdelay $0x1  }
0xbb: {  	s21 =	sadd.s32 $0x10, s21  }
0xbc: {  	s22 =	simm.s32 $0x4800;
	[tilespmem:s21+$0x0] =	vst v1  }
0xbd: {  	[tilespmem:s28], [sflag:$0x1] =	stream.indirect.gather [hbm4b:s10+s23], $0x1, s22, s23, $0xb8;
	[tilespmem:$0x6200] =	vst v63  }
0xbe: {  	s25 =	simm.s32 $0x1B8;
	v1 =	vld.idx.msk [tilespmem:v2+s2+$0x0], $0xffff  }
0xbf: {  	v2 =	vadd.s32 s25, v0;
	_ =	sdelay $0x2  }
0xc0: {  	s21 =	simm.s32 $0x4A00  }
0xc1: {  	[tilespmem:s21+$0x0] =	vst v1  }
0xc2: {  	s26 =	simm.s32 $0x358;
	v1 =	vld.idx.msk [tilespmem:v2+s2+$0x0], $0xffff  }
0xc3: {  	s22 =	simm.s32 $0x4F8;
	v2 =	vadd.s32 s26, v0  }
.LBB2_18:
0xc4: {  	p0 =	sne.s32 s22, $0x3278;
	_ =	sdelay $0x1  }
.Ltmp8:
0xc5: {  	s21 =	sadd.s32 $0x10, s21;
	(pc) =	sbr.rel @p0 .LBB2_18-.Ltmp8, $3  }
0xc6: {  	[tilespmem:s21+$0x0] =	vst v1  }
0xc7: {  	v1 =	vld.idx.msk [tilespmem:v2+s2+$0x0], $0xffff;
	_ =	sdelay $0x1  }
0xc8: {  	v2 =	vadd.s32 s22, v0;
	s22 =	sadd.s32 $0x1A0, s22  }
0xc9: {  	_ =	sdelay $0x1  }
0xca: {  	s21 =	sadd.s32 $0x10, s21  }
0xcb: {  	[tilespmem:s21+$0x0] =	vst v1  }
0xcc: {  	v1 =	vld.idx.msk [tilespmem:v2+s2+$0x0], $0xffff  }
0xcd: {  	s22 =	simm.s32 $0x19  }
0xce: {  	v2 =	vadd.s32 s22, v0;
	_ =	sdelay $0x1  }
0xcf: {  	s21 =	sadd.s32 $0x10, s21  }
0xd0: {  	[tilespmem:s21+$0x0] =	vst v1  }
0xd1: {  	[tilespmem:s30], [sflag:$0x1] =	stream.indirect.gather [hbm4b:s11+s23], $0x1, s29, s23, $0xb8;
	[tilespmem:$0x6200] =	vst v63  }
0xd2: {  	s25 =	simm.s32 $0x1B9;
	v1 =	vld.idx.msk [tilespmem:v2+s2+$0x0], $0xffff  }
0xd3: {  	v2 =	vadd.s32 s25, v0;
	_ =	sdelay $0x2  }
0xd4: {  	s21 =	simm.s32 $0x4C00  }
0xd5: {  	[tilespmem:s21+$0x0] =	vst v1  }
0xd6: {  	s26 =	simm.s32 $0x359;
	v1 =	vld.idx.msk [tilespmem:v2+s2+$0x0], $0xffff  }
0xd7: {  	s22 =	simm.s32 $0x4F9;
	v2 =	vadd.s32 s26, v0  }
.LBB2_20:
0xd8: {  	p0 =	sne.s32 s22, $0x3279;
	_ =	sdelay $0x1  }
.Ltmp9:
0xd9: {  	s21 =	sadd.s32 $0x10, s21;
	(pc) =	sbr.rel @p0 .LBB2_20-.Ltmp9, $3  }
0xda: {  	[tilespmem:s21+$0x0] =	vst v1  }
0xdb: {  	v1 =	vld.idx.msk [tilespmem:v2+s2+$0x0], $0xffff;
	_ =	sdelay $0x1  }
0xdc: {  	v2 =	vadd.s32 s22, v0;
	s22 =	sadd.s32 $0x1A0, s22  }
0xdd: {  	_ =	sdelay $0x1  }
0xde: {  	s21 =	sadd.s32 $0x10, s21  }
0xdf: {  	[tilespmem:s21+$0x0] =	vst v1  }
0xe0: {  	v1 =	vld.idx.msk [tilespmem:v2+s2+$0x0], $0xffff;
	_ =	sdelay $0x3  }
0xe1: {  	s21 =	sadd.s32 $0x10, s21  }
0xe2: {  	[tilespmem:s21+$0x0] =	vst v1  }
0xe3: {  	[tilespmem:s0], [sflag:$0x1] =	stream.indirect.gather [hbm4b:s12+s23], $0x1, s31, s23, $0xb8;
	[tilespmem:$0x6200] =	vst v63  }
0xe4: {  	_ =	swait.ge [sflag:s1], $0x200  }
0xe5: {  	[sflag:s1] =	ssyncset.done $0x0  }
0xe6: {  	[sflag:s1] =	ssyncadd.s32 $0xFFFFFE00  }
0xe7: {  	_ =	swait.ge [sflag:s1], $0x200  }
0xe8: {  	[sflag:s1] =	ssyncset.done $0x0  }
0xe9: {  	[sflag:s1] =	ssyncadd.s32 $0xFFFFFE00  }
0xea: {  	_ =	swait.ge [sflag:s1], $0x200  }
0xeb: {  	[sflag:s1] =	ssyncset.done $0x0  }
0xec: {  	[sflag:s1] =	ssyncadd.s32 $0xFFFFFE00  }
0xed: {  	_ =	swait.ge [sflag:s1], $0x200  }
0xee: {  	[sflag:s1] =	ssyncset.done $0x0  }
0xef: {  	[sflag:s1] =	ssyncadd.s32 $0xFFFFFE00  }
0xf0: {  	_ =	swait.ge [sflag:s1], $0x200  }
0xf1: {  	[sflag:s1] =	ssyncset.done $0x0  }
0xf2: {  	[sflag:s1] =	ssyncadd.s32 $0xFFFFFE00  }
0xf3: {  	_ =	swait.ge [sflag:s1], $0x200  }
0xf4: {  	[sflag:s1] =	ssyncset.done $0x0  }
0xf5: {  	[sflag:s1] =	ssyncadd.s32 $0xFFFFFE00  }
0xf6: {  	_ =	swait.ge [sflag:s1], $0x200  }
0xf7: {  	[sflag:s1] =	ssyncset.done $0x0  }
0xf8: {  	[sflag:s1] =	ssyncadd.s32 $0xFFFFFE00  }
0xf9: {  	_ =	swait.ge [sflag:s1], $0x200  }
0xfa: {  	[sflag:s1] =	ssyncset.done $0x0  }
0xfb: {  	[sflag:s1] =	ssyncadd.s32 $0xFFFFFE00  }
0xfc: {  	_ =	swait.ge [sflag:s1], $0x200  }
0xfd: {  	[sflag:s1] =	ssyncset.done $0x0  }
0xfe: {  	[sflag:s1] =	ssyncadd.s32 $0xFFFFFE00  }
0xff: {  	_ =	swait.ge [sflag:s1], $0x200  }
0x100: {  	[sflag:s1] =	ssyncset.done $0x0  }
0x101: {  	s22 =	simm.s32 $0x0;
	[sflag:s1] =	ssyncadd.s32 $0xFFFFFE00  }
0x102: {  	v1 =	vld [tilespmem:s22+$0x3400]  }
0x103: {  	v2 =	vld [tilespmem:s22+$0x3600];
	_ =	sdelay $0x1  }
0x104: {  	v3 =	vld [tilespmem:s22+$0x4E00];
	_ =	sdelay $0x1  }
0x105: {  	v4 =	vld [tilespmem:s22+$0x5000]  }
0x106: {  	v1 =	vadd.f32 v2, v1  }
0x107: {  	v2 =	vld [tilespmem:s22+$0x5200]  }
0x108: {  	v1 =	vadd.f32 v3, v1  }
0x109: {  	v3 =	vld [tilespmem:s22+$0x5400]  }
0x10a: {  	s21 =	simm.s32 $0x10;
	v5 =	vld [tilespmem:s22+$0x5600];
	v1 =	vadd.f32 v4, v1  }
0x10b: {  	v6 =	vld [tilespmem:s21+$0x3400]  }
0x10c: {  	v4 =	vld [tilespmem:s22+$0x5800];
	v1 =	vadd.f32 v2, v1  }
0x10d: {  	v2 =	vld [tilespmem:s21+$0x3600]  }
0x10e: {  	v7 =	vld [tilespmem:s21+$0x4E00];
	v1 =	vadd.f32 v3, v1  }
0x10f: {  	v3 =	vld [tilespmem:s22+$0x5A00]  }
0x110: {  	v8 =	vld [tilespmem:s21+$0x5000];
	v1 =	vadd.f32 v5, v1  }
0x111: {  	v5 =	vld [tilespmem:s22+$0x5C00]  }
0x112: {  	v9 =	vld [tilespmem:s22+$0x5E00];
	v2 =	vadd.f32 v2, v6;
	v1 =	vadd.f32 v4, v1  }
0x113: {  	v6 =	vld [tilespmem:s21+$0x5200]  }
0x114: {  	v4 =	vld [tilespmem:s21+$0x5400];
	v2 =	vadd.f32 v7, v2;
	v7 =	vadd.f32 v3, v1  }
0x115: {  	v3 =	vld [tilespmem:s22+$0x6000]  }
0x116: {  	v1 =	vld [tilespmem:s21+$0x5800];
	v8 =	vadd.f32 v8, v2;
	v7 =	vadd.f32 v5, v7  }
0x117: {  	s25 =	simm.s32 $0x20;
	v5 =	vld [tilespmem:s21+$0x5600]  }
0x118: {  	s26 =	simm.s32 $0xC0;
	v2 =	vld [tilespmem:s25+$0x3400];
	v6 =	vadd.f32 v6, v8;
	v7 =	vadd.f32 v9, v7  }
.LBB2_22:
0x119: {  	p0 =	sne.s32 s26, $0x7C0;
	v8 =	vld [tilespmem:s25+$0x3600]  }
0x11a: {  	v4 =	vadd.f32 v4, v6;
	v6 =	vld [tilespmem:s21+$0x5A00];
	v3 =	vadd.f32 v3, v7  }
0x11b: {  	v7 =	vld [tilespmem:s25+$0x4E00]  }
0x11c: {  	v4 =	vadd.f32 v5, v4;
	v5 =	vld [tilespmem:s21+$0x5C00];
	[tilespmem:s22+$0x3800] =	vst v3;
	s22 =	smov.u32 s21;
	s21 =	smov.u32 s25  }
0x11d: {  	v9 =	vld [tilespmem:s21+$0x5000]  }
0x11e: {  	v2 =	vadd.f32 v8, v2;
	v1 =	vadd.f32 v1, v4;
	v8 =	vld [tilespmem:s22+$0x5E00]  }
0x11f: {  	v10 =	vld [tilespmem:s21+$0x5200]  }
.Ltmp10:
0x120: {  	v2 =	vadd.f32 v7, v2;
	v6 =	vadd.f32 v6, v1;
	v3 =	vld [tilespmem:s22+$0x6000];
	(pc) =	sbr.rel @p0 .LBB2_22-.Ltmp10, $4  }
0x121: {  	v4 =	vld [tilespmem:s21+$0x5400]  }
0x122: {  	v7 =	vadd.f32 v9, v2;
	v1 =	vld [tilespmem:s21+$0x5800];
	v9 =	vadd.f32 v5, v6  }
0x123: {  	s25 =	sshra.s32 s26, $0x2;
	v5 =	vld [tilespmem:s21+$0x5600]  }
0x124: {  	s26 =	sadd.s32 $0x40, s26;
	v2 =	vld [tilespmem:s25+$0x3400];
	v6 =	vadd.f32 v10, v7;
	v7 =	vadd.f32 v8, v9  }
0x125: {  	v8 =	vld [tilespmem:s25+$0x3600]  }
0x126: {  	v9 =	vld [tilespmem:s21+$0x5A00];
	v3 =	vadd.f32 v3, v7  }
0x127: {  	v56 =	vld [tilespmem:s25+$0x4E00]  }
0x128: {  	v10 =	vld [tilespmem:s21+$0x5C00];
	v4 =	vadd.f32 v4, v6;
	[tilespmem:s22+$0x3800] =	vst v3  }
0x129: {  	v3 =	vld [tilespmem:s25+$0x5000]  }
0x12a: {  	v4 =	vadd.f32 v5, v4;
	v2 =	vadd.f32 v8, v2  }
0x12b: {  	v57 =	vld [tilespmem:s25+$0x5200]  }
0x12c: {  	v58 =	vld [tilespmem:s21+$0x5E00];
	v1 =	vadd.f32 v1, v4;
	v2 =	vadd.f32 v56, v2  }
0x12d: {  	v59 =	vld [tilespmem:s25+$0x5400]  }
0x12e: {  	v60 =	vld [tilespmem:s21+$0x6000];
	v1 =	vadd.f32 v9, v1;
	v2 =	vadd.f32 v3, v2  }
0x12f: {  	v3 =	vld [tilespmem:s25+$0x5600]  }
0x130: {  	v1 =	vadd.f32 v10, v1;
	v2 =	vadd.f32 v57, v2  }
0x131: {  	v61 =	vld [tilespmem:s25+$0x5800]  }
0x132: {  	v1 =	vadd.f32 v58, v1;
	v2 =	vadd.f32 v59, v2  }
0x133: {  	v62 =	vld [tilespmem:s25+$0x5A00]  }
0x134: {  	v1 =	vadd.f32 v60, v1;
	v2 =	vadd.f32 v3, v2  }
0x135: {  	v3 =	vld [tilespmem:s25+$0x5C00]  }
0x136: {  	[tilespmem:s21+$0x3800] =	vst v1;
	v1 =	vadd.f32 v61, v2  }
0x137: {  	v2 =	vld [tilespmem:s25+$0x5E00]  }
0x138: {  	v1 =	vadd.f32 v62, v1  }
0x139: {  	v63 =	vld [tilespmem:s25+$0x6000]  }
0x13a: {  	v1 =	vadd.f32 v3, v1;
	_ =	sdelay $0x1  }
0x13b: {  	v1 =	vadd.f32 v2, v1;
	_ =	sdelay $0x1  }
0x13c: {  	s19 =	sadd.s32 $0x1, s19;
	v1 =	vadd.f32 v63, v1  }
0x13d: {  	p0 =	sne.s32 s19, s17  }
.Ltmp11:
0x13e: {  	[tilespmem:s25+$0x3800] =	vst v1;
	(pc) =	sbr.rel @p0 .LBB2_1-.Ltmp11, $4  }
0x13f: {  	[hbm4b:s16+s2] =	stream.linear.scatter [tilespmem:s18], [sflag:$0x2], $0x200, $0x38;
	[tilespmem:$0x6200] =	vst v63  }
0x140: {  	_ =	swait.ge [sflag:s20], $0x200  }
0x141: {  	[sflag:s20] =	ssyncset.done $0x0  }
0x142: {  	[sflag:s20] =	ssyncadd.s32 $0xFFFFFE00  }
0x143: {  	_ =	sfence.sel $0x180000  }
0x144: {  	[bflag:$0x0] =	sbarrier.arrive $0xFFFF  }
0x145: {  	_ =	strace $0x9000004A  }
0x146: {  	s0 =	stileid.u32;
	[bflag:$0x2] =	sbarrier.arrive $0xFFFF  }
0x147: {  	p0 =	sne.s32 s0, $0x0;
	s0 =	rddreg [dreg:$0x2]  }
0x148: {  	s0 =	sadd.s32 @!p0 $0x100000, s0  }
0x149: {  	[sflag:s0] =	ssyncadd.tile.s32 @!p0 $0x1;
	_ =	shalt  }
.Lfunc_end2:
_tile_overlayer_lowered:
.L_overlay_start_2:
0x14a: {  	(tag) =	ssettag $0x2  }
0x14b: {  	s0 =	rddreg [dreg:$0x0];
	s2 =	stileid.u32  }
0x14c: {  	s1 =	rddreg [dreg:$0x1];
	p0 =	sne.s32 s2, $0x0  }
0x14d: {  	s3 =	rddreg [dreg:$0x2];
	[bflag:$0x3] =	sbarrier.arrive $0xFFFF;
	s2 =	simm.s32 @!p0 $0x1C02  }
0x14e: {  	[timem:s3], [sflag:s2] =	dma.local @!p0 [hbm:s0], s1  }
0x14f: {  	s0 =	simm.s32 @!p0 $0x2  }
0x150: {  	_ =	swait.ge @!p0 [sflag:s0], s1  }
0x151: {  	s1 =	ssub.s32 @!p0 $0x0, s1;
	[sflag:s0] =	ssyncset.done @!p0 $0x0  }
0x152: {  	[sflag:s0] =	ssyncadd.s32 @!p0 s1  }
0x153: {  	[bflag:$0x3] =	sbarrier.arrive $0xFFFF  }
0x154: {  	_ =	shalt  }

</sc_bundles>
